<compile_context>
chip_gen: v7x
topology: tpu7x:2x2x1
jax: 0.10.2.dev20260603
libtpu: 0.0.44.dev20260713+nightly
codegen_flags: <defaults>
</compile_context>

<pallas_src>
import functools

import jax
import jax.numpy as jnp
from jax import lax
from jax.experimental import pallas as pl
from jax.experimental.pallas import tpu as pltpu
from jax.experimental.pallas import tpu_sc as plsc

_N, _E, _D, _L = 10000, 320000, 128, 5
_NC, _NS = 2, 16
_NW = _NC * _NS
_CH = 100
_EPT = _E // _NW
_NCH = _EPT // _CH
_NPAD = 10240
_RPT = _NPAD // _NS


def _sc_segment_sum(h, col2d, row2d, zrows):
    mesh = plsc.VectorSubcoreMesh(core_axis_name="c", subcore_axis_name="s")

    @functools.partial(
        pl.kernel,
        mesh=mesh,
        out_type=jax.ShapeDtypeStruct((_NC, _NPAD, _D), jnp.float32),
        scratch_types=[
            pltpu.VMEM((_NCH, _CH), jnp.int32),
            pltpu.VMEM((_NCH, _CH), jnp.int32),
            pltpu.VMEM((_CH, _D), jnp.float32),
            pltpu.VMEM_SHARED((_NPAD, _D), jnp.float32),
            pltpu.SemaphoreType.DMA,
        ],
    )
    def run(h_hbm, col_hbm, row_hbm, z_hbm, out_hbm,
            colv, rowv, gbuf, acc, gsem):
        c = lax.axis_index("c")
        s = lax.axis_index("s")
        tid = c * _NS + s

        pltpu.sync_copy(col_hbm.at[tid], colv)
        pltpu.sync_copy(row_hbm.at[tid], rowv)

        pltpu.sync_copy(z_hbm, acc.at[pl.ds(s * _RPT, _RPT)])
        plsc.subcore_barrier()

        def body(i, carry):
            pltpu.async_copy(h_hbm.at[colv.at[i]], gbuf, gsem).wait()
            pltpu.sync_copy(gbuf, acc.at[rowv.at[i]], add=True)
            return carry

        lax.fori_loop(0, _NCH, body, 0)
        plsc.subcore_barrier()

        pltpu.sync_copy(acc.at[pl.ds(s * _RPT, _RPT)],
                        out_hbm.at[c].at[pl.ds(s * _RPT, _RPT)])

    return run(h, col2d, row2d, zrows)


def _tc_mlp(h, p, scal, w1, b1, g1, be1, w2, b2, g2, be2):

    def body(h_ref, p_ref, sc_ref, w1_ref, b1_ref, g1_ref, be1_ref,
             w2_ref, b2_ref, g2_ref, be2_ref, out_ref):
        agg = (sc_ref[...] * h_ref[...]
               + (p_ref[0, : _N, :] + p_ref[1, : _N, :]))
        z = jnp.dot(agg, w1_ref[...], preferred_element_type=jnp.float32)
        z = z + b1_ref[...]
        mu = jnp.mean(z, axis=0, keepdims=True)
        var = jnp.mean((z - mu) ** 2, axis=0, keepdims=True)
        z = (z - mu) / jnp.sqrt(var + 1e-5) * g1_ref[...] + be1_ref[...]
        z = jnp.maximum(z, 0.0)
        z2 = jnp.dot(z, w2_ref[...], preferred_element_type=jnp.float32)
        z2 = z2 + b2_ref[...]
        mu2 = jnp.mean(z2, axis=0, keepdims=True)
        var2 = jnp.mean((z2 - mu2) ** 2, axis=0, keepdims=True)
        z2 = (z2 - mu2) / jnp.sqrt(var2 + 1e-5) * g2_ref[...] + be2_ref[...]
        out_ref[...] = jnp.maximum(z2, 0.0)

    return pl.pallas_call(
        body,
        out_shape=jax.ShapeDtypeStruct((_N, _D), jnp.float32),
    )(h, p, scal, w1, b1, g1, be1, w2, b2, g2, be2)


def kernel(x, edge_index, W1, b1, g1, be1, W2, b2, g2, be2, eps):
    row2d = edge_index[0].reshape(_NW, _NCH, _CH)
    col2d = edge_index[1].reshape(_NW, _NCH, _CH)
    zrows = jnp.zeros((_RPT, _D), jnp.float32)
    h = x
    for l in range(_L):
        p = _sc_segment_sum(h, col2d, row2d, zrows)
        scal = (1.0 + eps[l]).reshape(1, 1)
        h = _tc_mlp(h, p, scal,
                    W1[l], b1[l].reshape(1, _D), g1[l].reshape(1, _D),
                    be1[l].reshape(1, _D),
                    W2[l], b2[l].reshape(1, _D), g2[l].reshape(1, _D),
                    be2[l].reshape(1, _D))
    return h

# --- scband reference (transcript-rebuilt; emitter-appended) ---
"""Pipeline reference for scband-ginencoder-76794015252980 (READ-ONLY COPY).

The authoritative reference and input builder live on the scoring server;
editing this copy changes nothing except your own understanding.
"""

import jax, jax.numpy as jnp
import numpy as np

N, E, D, L = 10000, 320000, 128, 5


def _bn(h, g, b):
    mu = jnp.mean(h, axis=0)
    var = jnp.mean((h - mu) ** 2, axis=0)
    return (h - mu) / jnp.sqrt(var + 1e-5) * g + b


def setup_inputs(seed: int = 0) -> dict:
    key = jax.random.key(seed)
    ks = jax.random.split(key, 12)
    x = jax.random.normal(ks[0], (N, D), dtype=jnp.float32)
    edge_index = jax.random.randint(ks[1], (2, E), 0, N, dtype=jnp.int32)
    s = 1.0 / np.sqrt(D)
    W1 = jax.random.normal(ks[2], (L, D, D), dtype=jnp.float32) * s
    b1 = jnp.zeros((L, D), dtype=jnp.float32)
    g1 = jnp.ones((L, D), dtype=jnp.float32)
    be1 = jnp.zeros((L, D), dtype=jnp.float32)
    W2 = jax.random.normal(ks[3], (L, D, D), dtype=jnp.float32) * s
    b2 = jnp.zeros((L, D), dtype=jnp.float32)
    g2 = jnp.ones((L, D), dtype=jnp.float32)
    be2 = jnp.zeros((L, D), dtype=jnp.float32)
    eps = jnp.zeros((L,), dtype=jnp.float32)
    return {"x": x, "edge_index": edge_index, "W1": W1, "b1": b1, "g1": g1,
            "be1": be1, "W2": W2, "b2": b2, "g2": g2, "be2": be2, "eps": eps}


def reference(x, edge_index, W1, b1, g1, be1, W2, b2, g2, be2, eps):
    row = edge_index[0]
    col = edge_index[1]
    h = x
    for l in range(L):
        neighbor_sum = jax.ops.segment_sum(h[col], row, num_segments=N)
        h_agg = (1.0 + eps[l]) * h + neighbor_sum
        # GIN_MLP (2 layers): linear -> BN -> relu -> linear
        h = h_agg @ W1[l] + b1[l]
        h = jax.nn.relu(_bn(h, g1[l], be1[l]))
        h = h @ W2[l] + b2[l]
        # outer norm + relu
        h = jax.nn.relu(_bn(h, g2[l], be2[l]))
    return h

if __name__ == "__main__":
    import jax
    _d = setup_inputs()
    print(jax.jit(kernel)(*tuple(_d.values())))

</pallas_src>

<mosaic_0001>
#map = affine_map<(d0, d1) -> (0, 0)>
#map1 = affine_map<(d0, d1) -> (0, 0, 0)>
module attributes {stable_mosaic.version = 14 : i64} {
  func.func @run(%arg0: i32, %arg1: i32, %arg2: memref<10000x128xf32, #tpu.memory_space<hbm>>, %arg3: memref<32x100x100xi32, #tpu.memory_space<hbm>>, %arg4: memref<32x100x100xi32, #tpu.memory_space<hbm>>, %arg5: memref<640x128xf32, #tpu.memory_space<hbm>>, %arg6: memref<2x10240x128xf32, #tpu.memory_space<hbm>>, %arg7: memref<100x100xi32, #tpu.memory_space<vmem>>, %arg8: memref<100x100xi32, #tpu.memory_space<vmem>>, %arg9: memref<100x128xf32, #tpu.memory_space<vmem>>, %arg10: memref<10240x128xf32, #tpu.memory_space<vmem_shared>>, %arg11: memref<!tpu.dma_semaphore, #tpu.memory_space<semaphore_mem>>) attributes {dimension_semantics = [#tpu.dimension_semantics<core_parallel>, #tpu.dimension_semantics<subcore_parallel>], iteration_bounds = array<i64: 2, 16>, scalar_prefetch = 0 : i64, scratch_operands = 5 : i64, tpu.core_type = #tpu.core_type<sc_vector_subcore>, window_params = [{transform_indices = #map}, {transform_indices = #map1}, {transform_indices = #map1}, {transform_indices = #map}, {transform_indices = #map1}]} {
    %mul3A = arith.constant 16 : i32
    %mul3A_0 = arith.muli %arg0, %mul3A : i32
    %add3A = arith.addi %mul3A_0, %arg1 : i32
    "tpu.region"() ({
      %run_scoped3A = tpu.sem_alloc : memref<!tpu.dma_semaphore, #tpu.memory_space<semaphore_mem>>
      %dma_start3A = arith.constant 0 : i32
      %dma_start3A_13 = arith.constant 0 : i32
      %dma_start3A_14 = tpu.memref_slice %arg3[%add3A, %dma_start3A, %dma_start3A_13] : memref<32x100x100xi32, #tpu.memory_space<hbm>> -> memref<1x100x100xi32, #tpu.memory_space<hbm>>
      %dma_start3A_15 = tpu.memref_squeeze %dma_start3A_14 : memref<1x100x100xi32, #tpu.memory_space<hbm>> -> memref<100x100xi32, #tpu.memory_space<hbm>>
      %dma_start3A_16 = arith.constant 0 : i32
      %dma_start3A_17 = arith.constant 0 : i32
      %dma_start3A_18 = tpu.memref_slice %arg3[%add3A, %dma_start3A_16, %dma_start3A_17] : memref<32x100x100xi32, #tpu.memory_space<hbm>> -> memref<1x100x100xi32, #tpu.memory_space<hbm>>
      %dma_start3A_19 = tpu.memref_squeeze %dma_start3A_18 : memref<1x100x100xi32, #tpu.memory_space<hbm>> -> memref<100x100xi32, #tpu.memory_space<hbm>>
      tpu.enqueue_dma source(%dma_start3A_19 : memref<100x100xi32, #tpu.memory_space<hbm>>) target(%arg7 : memref<100x100xi32, #tpu.memory_space<vmem>>) target_semaphore(%run_scoped3A : memref<!tpu.dma_semaphore, #tpu.memory_space<semaphore_mem>>)
      %dma_wait3A = arith.constant 0 : i32
      %dma_wait3A_20 = arith.constant 0 : i32
      %dma_wait3A_21 = tpu.memref_slice %arg3[%add3A, %dma_wait3A, %dma_wait3A_20] : memref<32x100x100xi32, #tpu.memory_space<hbm>> -> memref<1x100x100xi32, #tpu.memory_space<hbm>>
      %dma_wait3A_22 = tpu.memref_squeeze %dma_wait3A_21 : memref<1x100x100xi32, #tpu.memory_space<hbm>> -> memref<100x100xi32, #tpu.memory_space<hbm>>
      %dma_wait3A_23 = arith.constant 0 : i32
      %dma_wait3A_24 = arith.constant 0 : i32
      %dma_wait3A_25 = tpu.memref_slice %arg3[%add3A, %dma_wait3A_23, %dma_wait3A_24] : memref<32x100x100xi32, #tpu.memory_space<hbm>> -> memref<1x100x100xi32, #tpu.memory_space<hbm>>
      %dma_wait3A_26 = tpu.memref_squeeze %dma_wait3A_25 : memref<1x100x100xi32, #tpu.memory_space<hbm>> -> memref<100x100xi32, #tpu.memory_space<hbm>>
      tpu.wait_dma2 semaphore(%run_scoped3A : memref<!tpu.dma_semaphore, #tpu.memory_space<semaphore_mem>>) src(%dma_wait3A_26 : memref<100x100xi32, #tpu.memory_space<hbm>>) dst(%arg7 : memref<100x100xi32, #tpu.memory_space<vmem>>)
      tpu.yield
    }) : () -> ()
    "tpu.region"() ({
      %run_scoped3A = tpu.sem_alloc : memref<!tpu.dma_semaphore, #tpu.memory_space<semaphore_mem>>
      %dma_start3A = arith.constant 0 : i32
      %dma_start3A_13 = arith.constant 0 : i32
      %dma_start3A_14 = tpu.memref_slice %arg4[%add3A, %dma_start3A, %dma_start3A_13] : memref<32x100x100xi32, #tpu.memory_space<hbm>> -> memref<1x100x100xi32, #tpu.memory_space<hbm>>
      %dma_start3A_15 = tpu.memref_squeeze %dma_start3A_14 : memref<1x100x100xi32, #tpu.memory_space<hbm>> -> memref<100x100xi32, #tpu.memory_space<hbm>>
      %dma_start3A_16 = arith.constant 0 : i32
      %dma_start3A_17 = arith.constant 0 : i32
      %dma_start3A_18 = tpu.memref_slice %arg4[%add3A, %dma_start3A_16, %dma_start3A_17] : memref<32x100x100xi32, #tpu.memory_space<hbm>> -> memref<1x100x100xi32, #tpu.memory_space<hbm>>
      %dma_start3A_19 = tpu.memref_squeeze %dma_start3A_18 : memref<1x100x100xi32, #tpu.memory_space<hbm>> -> memref<100x100xi32, #tpu.memory_space<hbm>>
      tpu.enqueue_dma source(%dma_start3A_19 : memref<100x100xi32, #tpu.memory_space<hbm>>) target(%arg8 : memref<100x100xi32, #tpu.memory_space<vmem>>) target_semaphore(%run_scoped3A : memref<!tpu.dma_semaphore, #tpu.memory_space<semaphore_mem>>)
      %dma_wait3A = arith.constant 0 : i32
      %dma_wait3A_20 = arith.constant 0 : i32
      %dma_wait3A_21 = tpu.memref_slice %arg4[%add3A, %dma_wait3A, %dma_wait3A_20] : memref<32x100x100xi32, #tpu.memory_space<hbm>> -> memref<1x100x100xi32, #tpu.memory_space<hbm>>
      %dma_wait3A_22 = tpu.memref_squeeze %dma_wait3A_21 : memref<1x100x100xi32, #tpu.memory_space<hbm>> -> memref<100x100xi32, #tpu.memory_space<hbm>>
      %dma_wait3A_23 = arith.constant 0 : i32
      %dma_wait3A_24 = arith.constant 0 : i32
      %dma_wait3A_25 = tpu.memref_slice %arg4[%add3A, %dma_wait3A_23, %dma_wait3A_24] : memref<32x100x100xi32, #tpu.memory_space<hbm>> -> memref<1x100x100xi32, #tpu.memory_space<hbm>>
      %dma_wait3A_26 = tpu.memref_squeeze %dma_wait3A_25 : memref<1x100x100xi32, #tpu.memory_space<hbm>> -> memref<100x100xi32, #tpu.memory_space<hbm>>
      tpu.wait_dma2 semaphore(%run_scoped3A : memref<!tpu.dma_semaphore, #tpu.memory_space<semaphore_mem>>) src(%dma_wait3A_26 : memref<100x100xi32, #tpu.memory_space<hbm>>) dst(%arg8 : memref<100x100xi32, #tpu.memory_space<vmem>>)
      tpu.yield
    }) : () -> ()
    %mul3A_1 = arith.constant 640 : i32
    %mul3A_2 = arith.muli %arg1, %mul3A_1 : i32
    "tpu.region"() ({
      %run_scoped3A = tpu.sem_alloc : memref<!tpu.dma_semaphore, #tpu.memory_space<semaphore_mem>>
      %dma_start3A = arith.constant 0 : i32
      %dma_start3A_13 = tpu.memref_slice %arg10[%mul3A_2, %dma_start3A] : memref<10240x128xf32, #tpu.memory_space<vmem_shared>> -> memref<640x128xf32, #tpu.memory_space<vmem_shared>>
      tpu.enqueue_dma source(%arg5 : memref<640x128xf32, #tpu.memory_space<hbm>>) target(%dma_start3A_13 : memref<640x128xf32, #tpu.memory_space<vmem_shared>>) target_semaphore(%run_scoped3A : memref<!tpu.dma_semaphore, #tpu.memory_space<semaphore_mem>>)
      %dma_wait3A = arith.constant 0 : i32
      %dma_wait3A_14 = tpu.memref_slice %arg10[%mul3A_2, %dma_wait3A] : memref<10240x128xf32, #tpu.memory_space<vmem_shared>> -> memref<640x128xf32, #tpu.memory_space<vmem_shared>>
      tpu.wait_dma2 semaphore(%run_scoped3A : memref<!tpu.dma_semaphore, #tpu.memory_space<semaphore_mem>>) src(%arg5 : memref<640x128xf32, #tpu.memory_space<hbm>>) dst(%dma_wait3A_14 : memref<640x128xf32, #tpu.memory_space<vmem_shared>>)
      tpu.yield
    }) : () -> ()
    %barrier3A = arith.constant 0 : index
    tpu.barrier barrier_id(%barrier3A)
    %scan3A = arith.constant 0 : i32
    %scan3A_3 = arith.constant 0 : i32
    %scan3A_4 = arith.constant 100 : i32
    %scan3A_5 = arith.addi %scan3A_3, %scan3A_4 : i32
    %scan3A_6 = arith.constant 1 : i32
    scf.for %scan3A_13 = %scan3A_3 to %scan3A_5 step %scan3A_6  : i32 {
      %dma_start3A = arith.constant 0 : i32
      %dma_start3A_14 = tpu.memref_slice %arg7[%scan3A_13, %dma_start3A] : memref<100x100xi32, #tpu.memory_space<vmem>> -> memref<1x100xi32, #tpu.memory_space<vmem>>
      %dma_start3A_15 = tpu.memref_squeeze %dma_start3A_14 : memref<1x100xi32, #tpu.memory_space<vmem>> -> memref<100xi32, #tpu.memory_space<vmem>>
      %dma_start3A_16 = arith.constant 0 : i32
      %dma_start3A_17 = arith.constant 0 : i32
      %dma_start3A_18 = tpu.memref_slice %arg2[%dma_start3A_16, %dma_start3A_17] : memref<10000x128xf32, #tpu.memory_space<hbm>> -> memref<10000x128xf32, #tpu.memory_space<hbm>>
      tpu.enqueue_indirect_dma source(%dma_start3A_18 : memref<10000x128xf32, #tpu.memory_space<hbm>>) target(%arg9 : memref<100x128xf32, #tpu.memory_space<vmem>>) offsets(%dma_start3A_15 : memref<100xi32, #tpu.memory_space<vmem>>) semaphore(%arg11 : memref<!tpu.dma_semaphore, #tpu.memory_space<semaphore_mem>>)
      %dma_wait3A = arith.constant 0 : i32
      %dma_wait3A_19 = tpu.memref_slice %arg7[%scan3A_13, %dma_wait3A] : memref<100x100xi32, #tpu.memory_space<vmem>> -> memref<1x100xi32, #tpu.memory_space<vmem>>
      %dma_wait3A_20 = tpu.memref_squeeze %dma_wait3A_19 : memref<1x100xi32, #tpu.memory_space<vmem>> -> memref<100xi32, #tpu.memory_space<vmem>>
      %dma_wait3A_21 = arith.constant 0 : i32
      %dma_wait3A_22 = arith.constant 0 : i32
      %dma_wait3A_23 = tpu.memref_slice %arg2[%dma_wait3A_21, %dma_wait3A_22] : memref<10000x128xf32, #tpu.memory_space<hbm>> -> memref<10000x128xf32, #tpu.memory_space<hbm>>
      tpu.wait_indirect_dma semaphore(%arg11 : memref<!tpu.dma_semaphore, #tpu.memory_space<semaphore_mem>>) src(%dma_wait3A_23 : memref<10000x128xf32, #tpu.memory_space<hbm>>) dst(%arg9 : memref<100x128xf32, #tpu.memory_space<vmem>>)
      "tpu.region"() ({
        %run_scoped3A = tpu.sem_alloc : memref<!tpu.dma_semaphore, #tpu.memory_space<semaphore_mem>>
        %dma_start3A_24 = arith.constant 0 : i32
        %dma_start3A_25 = tpu.memref_slice %arg8[%scan3A_13, %dma_start3A_24] : memref<100x100xi32, #tpu.memory_space<vmem>> -> memref<1x100xi32, #tpu.memory_space<vmem>>
        %dma_start3A_26 = tpu.memref_squeeze %dma_start3A_25 : memref<1x100xi32, #tpu.memory_space<vmem>> -> memref<100xi32, #tpu.memory_space<vmem>>
        %dma_start3A_27 = arith.constant 0 : i32
        %dma_start3A_28 = arith.constant 0 : i32
        %dma_start3A_29 = tpu.memref_slice %arg10[%dma_start3A_27, %dma_start3A_28] : memref<10240x128xf32, #tpu.memory_space<vmem_shared>> -> memref<10240x128xf32, #tpu.memory_space<vmem_shared>>
        tpu.enqueue_indirect_dma source(%arg9 : memref<100x128xf32, #tpu.memory_space<vmem>>) target(%dma_start3A_29 : memref<10240x128xf32, #tpu.memory_space<vmem_shared>>) offsets(%dma_start3A_26 : memref<100xi32, #tpu.memory_space<vmem>>) semaphore(%run_scoped3A : memref<!tpu.dma_semaphore, #tpu.memory_space<semaphore_mem>>) {add = true}
        %dma_wait3A_30 = arith.constant 0 : i32
        %dma_wait3A_31 = tpu.memref_slice %arg8[%scan3A_13, %dma_wait3A_30] : memref<100x100xi32, #tpu.memory_space<vmem>> -> memref<1x100xi32, #tpu.memory_space<vmem>>
        %dma_wait3A_32 = tpu.memref_squeeze %dma_wait3A_31 : memref<1x100xi32, #tpu.memory_space<vmem>> -> memref<100xi32, #tpu.memory_space<vmem>>
        %dma_wait3A_33 = arith.constant 0 : i32
        %dma_wait3A_34 = arith.constant 0 : i32
        %dma_wait3A_35 = tpu.memref_slice %arg10[%dma_wait3A_33, %dma_wait3A_34] : memref<10240x128xf32, #tpu.memory_space<vmem_shared>> -> memref<10240x128xf32, #tpu.memory_space<vmem_shared>>
        tpu.wait_indirect_dma semaphore(%run_scoped3A : memref<!tpu.dma_semaphore, #tpu.memory_space<semaphore_mem>>) src(%arg9 : memref<100x128xf32, #tpu.memory_space<vmem>>) dst(%dma_wait3A_35 : memref<10240x128xf32, #tpu.memory_space<vmem_shared>>)
        tpu.yield
      }) : () -> ()
    }
    %scan3A_7 = arith.constant 100 : i32
    %barrier3A_8 = arith.constant 0 : index
    tpu.barrier barrier_id(%barrier3A_8)
    %mul3A_9 = arith.constant 640 : i32
    %mul3A_10 = arith.muli %arg1, %mul3A_9 : i32
    %mul3A_11 = arith.constant 640 : i32
    %mul3A_12 = arith.muli %arg1, %mul3A_11 : i32
    "tpu.region"() ({
      %run_scoped3A = tpu.sem_alloc : memref<!tpu.dma_semaphore, #tpu.memory_space<semaphore_mem>>
      %dma_start3A = arith.constant 0 : i32
      %dma_start3A_13 = arith.constant 0 : i32
      %dma_start3A_14 = tpu.memref_slice %arg6[%arg0, %dma_start3A, %dma_start3A_13] : memref<2x10240x128xf32, #tpu.memory_space<hbm>> -> memref<1x10240x128xf32, #tpu.memory_space<hbm>>
      %dma_start3A_15 = tpu.memref_squeeze %dma_start3A_14 : memref<1x10240x128xf32, #tpu.memory_space<hbm>> -> memref<10240x128xf32, #tpu.memory_space<hbm>>
      %dma_start3A_16 = arith.constant 0 : i32
      %dma_start3A_17 = tpu.memref_slice %dma_start3A_15[%mul3A_12, %dma_start3A_16] : memref<10240x128xf32, #tpu.memory_space<hbm>> -> memref<640x128xf32, #tpu.memory_space<hbm>>
      %dma_start3A_18 = arith.constant 0 : i32
      %dma_start3A_19 = tpu.memref_slice %arg10[%mul3A_10, %dma_start3A_18] : memref<10240x128xf32, #tpu.memory_space<vmem_shared>> -> memref<640x128xf32, #tpu.memory_space<vmem_shared>>
      tpu.enqueue_dma source(%dma_start3A_19 : memref<640x128xf32, #tpu.memory_space<vmem_shared>>) target(%dma_start3A_17 : memref<640x128xf32, #tpu.memory_space<hbm>>) target_semaphore(%run_scoped3A : memref<!tpu.dma_semaphore, #tpu.memory_space<semaphore_mem>>)
      %dma_wait3A = arith.constant 0 : i32
      %dma_wait3A_20 = arith.constant 0 : i32
      %dma_wait3A_21 = tpu.memref_slice %arg6[%arg0, %dma_wait3A, %dma_wait3A_20] : memref<2x10240x128xf32, #tpu.memory_space<hbm>> -> memref<1x10240x128xf32, #tpu.memory_space<hbm>>
      %dma_wait3A_22 = tpu.memref_squeeze %dma_wait3A_21 : memref<1x10240x128xf32, #tpu.memory_space<hbm>> -> memref<10240x128xf32, #tpu.memory_space<hbm>>
      %dma_wait3A_23 = arith.constant 0 : i32
      %dma_wait3A_24 = tpu.memref_slice %dma_wait3A_22[%mul3A_12, %dma_wait3A_23] : memref<10240x128xf32, #tpu.memory_space<hbm>> -> memref<640x128xf32, #tpu.memory_space<hbm>>
      %dma_wait3A_25 = arith.constant 0 : i32
      %dma_wait3A_26 = tpu.memref_slice %arg10[%mul3A_10, %dma_wait3A_25] : memref<10240x128xf32, #tpu.memory_space<vmem_shared>> -> memref<640x128xf32, #tpu.memory_space<vmem_shared>>
      tpu.wait_dma2 semaphore(%run_scoped3A : memref<!tpu.dma_semaphore, #tpu.memory_space<semaphore_mem>>) src(%dma_wait3A_26 : memref<640x128xf32, #tpu.memory_space<vmem_shared>>) dst(%dma_wait3A_24 : memref<640x128xf32, #tpu.memory_space<hbm>>)
      tpu.yield
    }) : () -> ()
    return
  }
}

#map = affine_map<(d0, d1) -> (0, 0)>
#map1 = affine_map<(d0, d1) -> (0, 0, 0)>
module attributes {stable_mosaic.version = 14 : i64} {
  func.func @run(%arg0: i32, %arg1: i32, %arg2: memref<10000x128xf32, #tpu.memory_space<hbm>>, %arg3: memref<32x100x100xi32, #tpu.memory_space<hbm>>, %arg4: memref<32x100x100xi32, #tpu.memory_space<hbm>>, %arg5: memref<640x128xf32, #tpu.memory_space<hbm>>, %arg6: memref<2x10240x128xf32, #tpu.memory_space<hbm>>, %arg7: memref<100x100xi32, #tpu.memory_space<vmem>>, %arg8: memref<100x100xi32, #tpu.memory_space<vmem>>, %arg9: memref<100x128xf32, #tpu.memory_space<vmem>>, %arg10: memref<10240x128xf32, #tpu.memory_space<vmem_shared>>, %arg11: memref<!tpu.dma_semaphore, #tpu.memory_space<semaphore_mem>>) attributes {dimension_semantics = [#tpu.dimension_semantics<core_parallel>, #tpu.dimension_semantics<subcore_parallel>], iteration_bounds = array<i64: 2, 16>, scalar_prefetch = 0 : i64, scratch_operands = 5 : i64, tpu.core_type = #tpu.core_type<sc_vector_subcore>, window_params = [{transform_indices = #map}, {transform_indices = #map1}, {transform_indices = #map1}, {transform_indices = #map}, {transform_indices = #map1}]} {
    %mul3A = arith.constant 16 : i32
    %mul3A_0 = arith.muli %arg0, %mul3A : i32
    %add3A = arith.addi %mul3A_0, %arg1 : i32
    "tpu.region"() ({
      %run_scoped3A = tpu.sem_alloc : memref<!tpu.dma_semaphore, #tpu.memory_space<semaphore_mem>>
      %dma_start3A = arith.constant 0 : i32
      %dma_start3A_13 = arith.constant 0 : i32
      %dma_start3A_14 = tpu.memref_slice %arg3[%add3A, %dma_start3A, %dma_start3A_13] : memref<32x100x100xi32, #tpu.memory_space<hbm>> -> memref<1x100x100xi32, #tpu.memory_space<hbm>>
      %dma_start3A_15 = tpu.memref_squeeze %dma_start3A_14 : memref<1x100x100xi32, #tpu.memory_space<hbm>> -> memref<100x100xi32, #tpu.memory_space<hbm>>
      %dma_start3A_16 = arith.constant 0 : i32
      %dma_start3A_17 = arith.constant 0 : i32
      %dma_start3A_18 = tpu.memref_slice %arg3[%add3A, %dma_start3A_16, %dma_start3A_17] : memref<32x100x100xi32, #tpu.memory_space<hbm>> -> memref<1x100x100xi32, #tpu.memory_space<hbm>>
      %dma_start3A_19 = tpu.memref_squeeze %dma_start3A_18 : memref<1x100x100xi32, #tpu.memory_space<hbm>> -> memref<100x100xi32, #tpu.memory_space<hbm>>
      tpu.enqueue_dma source(%dma_start3A_19 : memref<100x100xi32, #tpu.memory_space<hbm>>) target(%arg7 : memref<100x100xi32, #tpu.memory_space<vmem>>) target_semaphore(%run_scoped3A : memref<!tpu.dma_semaphore, #tpu.memory_space<semaphore_mem>>)
      %dma_wait3A = arith.constant 0 : i32
      %dma_wait3A_20 = arith.constant 0 : i32
      %dma_wait3A_21 = tpu.memref_slice %arg3[%add3A, %dma_wait3A, %dma_wait3A_20] : memref<32x100x100xi32, #tpu.memory_space<hbm>> -> memref<1x100x100xi32, #tpu.memory_space<hbm>>
      %dma_wait3A_22 = tpu.memref_squeeze %dma_wait3A_21 : memref<1x100x100xi32, #tpu.memory_space<hbm>> -> memref<100x100xi32, #tpu.memory_space<hbm>>
      %dma_wait3A_23 = arith.constant 0 : i32
      %dma_wait3A_24 = arith.constant 0 : i32
      %dma_wait3A_25 = tpu.memref_slice %arg3[%add3A, %dma_wait3A_23, %dma_wait3A_24] : memref<32x100x100xi32, #tpu.memory_space<hbm>> -> memref<1x100x100xi32, #tpu.memory_space<hbm>>
      %dma_wait3A_26 = tpu.memref_squeeze %dma_wait3A_25 : memref<1x100x100xi32, #tpu.memory_space<hbm>> -> memref<100x100xi32, #tpu.memory_space<hbm>>
      tpu.wait_dma2 semaphore(%run_scoped3A : memref<!tpu.dma_semaphore, #tpu.memory_space<semaphore_mem>>) src(%dma_wait3A_26 : memref<100x100xi32, #tpu.memory_space<hbm>>) dst(%arg7 : memref<100x100xi32, #tpu.memory_space<vmem>>)
      tpu.yield
    }) : () -> ()
    "tpu.region"() ({
      %run_scoped3A = tpu.sem_alloc : memref<!tpu.dma_semaphore, #tpu.memory_space<semaphore_mem>>
      %dma_start3A = arith.constant 0 : i32
      %dma_start3A_13 = arith.constant 0 : i32
      %dma_start3A_14 = tpu.memref_slice %arg4[%add3A, %dma_start3A, %dma_start3A_13] : memref<32x100x100xi32, #tpu.memory_space<hbm>> -> memref<1x100x100xi32, #tpu.memory_space<hbm>>
      %dma_start3A_15 = tpu.memref_squeeze %dma_start3A_14 : memref<1x100x100xi32, #tpu.memory_space<hbm>> -> memref<100x100xi32, #tpu.memory_space<hbm>>
      %dma_start3A_16 = arith.constant 0 : i32
      %dma_start3A_17 = arith.constant 0 : i32
      %dma_start3A_18 = tpu.memref_slice %arg4[%add3A, %dma_start3A_16, %dma_start3A_17] : memref<32x100x100xi32, #tpu.memory_space<hbm>> -> memref<1x100x100xi32, #tpu.memory_space<hbm>>
      %dma_start3A_19 = tpu.memref_squeeze %dma_start3A_18 : memref<1x100x100xi32, #tpu.memory_space<hbm>> -> memref<100x100xi32, #tpu.memory_space<hbm>>
      tpu.enqueue_dma source(%dma_start3A_19 : memref<100x100xi32, #tpu.memory_space<hbm>>) target(%arg8 : memref<100x100xi32, #tpu.memory_space<vmem>>) target_semaphore(%run_scoped3A : memref<!tpu.dma_semaphore, #tpu.memory_space<semaphore_mem>>)
      %dma_wait3A = arith.constant 0 : i32
      %dma_wait3A_20 = arith.constant 0 : i32
      %dma_wait3A_21 = tpu.memref_slice %arg4[%add3A, %dma_wait3A, %dma_wait3A_20] : memref<32x100x100xi32, #tpu.memory_space<hbm>> -> memref<1x100x100xi32, #tpu.memory_space<hbm>>
      %dma_wait3A_22 = tpu.memref_squeeze %dma_wait3A_21 : memref<1x100x100xi32, #tpu.memory_space<hbm>> -> memref<100x100xi32, #tpu.memory_space<hbm>>
      %dma_wait3A_23 = arith.constant 0 : i32
      %dma_wait3A_24 = arith.constant 0 : i32
      %dma_wait3A_25 = tpu.memref_slice %arg4[%add3A, %dma_wait3A_23, %dma_wait3A_24] : memref<32x100x100xi32, #tpu.memory_space<hbm>> -> memref<1x100x100xi32, #tpu.memory_space<hbm>>
      %dma_wait3A_26 = tpu.memref_squeeze %dma_wait3A_25 : memref<1x100x100xi32, #tpu.memory_space<hbm>> -> memref<100x100xi32, #tpu.memory_space<hbm>>
      tpu.wait_dma2 semaphore(%run_scoped3A : memref<!tpu.dma_semaphore, #tpu.memory_space<semaphore_mem>>) src(%dma_wait3A_26 : memref<100x100xi32, #tpu.memory_space<hbm>>) dst(%arg8 : memref<100x100xi32, #tpu.memory_space<vmem>>)
      tpu.yield
    }) : () -> ()
    %mul3A_1 = arith.constant 640 : i32
    %mul3A_2 = arith.muli %arg1, %mul3A_1 : i32
    "tpu.region"() ({
      %run_scoped3A = tpu.sem_alloc : memref<!tpu.dma_semaphore, #tpu.memory_space<semaphore_mem>>
      %dma_start3A = arith.constant 0 : i32
      %dma_start3A_13 = tpu.memref_slice %arg10[%mul3A_2, %dma_start3A] : memref<10240x128xf32, #tpu.memory_space<vmem_shared>> -> memref<640x128xf32, #tpu.memory_space<vmem_shared>>
      tpu.enqueue_dma source(%arg5 : memref<640x128xf32, #tpu.memory_space<hbm>>) target(%dma_start3A_13 : memref<640x128xf32, #tpu.memory_space<vmem_shared>>) target_semaphore(%run_scoped3A : memref<!tpu.dma_semaphore, #tpu.memory_space<semaphore_mem>>)
      %dma_wait3A = arith.constant 0 : i32
      %dma_wait3A_14 = tpu.memref_slice %arg10[%mul3A_2, %dma_wait3A] : memref<10240x128xf32, #tpu.memory_space<vmem_shared>> -> memref<640x128xf32, #tpu.memory_space<vmem_shared>>
      tpu.wait_dma2 semaphore(%run_scoped3A : memref<!tpu.dma_semaphore, #tpu.memory_space<semaphore_mem>>) src(%arg5 : memref<640x128xf32, #tpu.memory_space<hbm>>) dst(%dma_wait3A_14 : memref<640x128xf32, #tpu.memory_space<vmem_shared>>)
      tpu.yield
    }) : () -> ()
    %barrier3A = arith.constant 0 : index
    tpu.barrier barrier_id(%barrier3A)
    %scan3A = arith.constant 0 : i32
    %scan3A_3 = arith.constant 0 : i32
    %scan3A_4 = arith.constant 100 : i32
    %scan3A_5 = arith.addi %scan3A_3, %scan3A_4 : i32
    %scan3A_6 = arith.constant 1 : i32
    scf.for %scan3A_13 = %scan3A_3 to %scan3A_5 step %scan3A_6  : i32 {
      %dma_start3A = arith.constant 0 : i32
      %dma_start3A_14 = tpu.memref_slice %arg7[%scan3A_13, %dma_start3A] : memref<100x100xi32, #tpu.memory_space<vmem>> -> memref<1x100xi32, #tpu.memory_space<vmem>>
      %dma_start3A_15 = tpu.memref_squeeze %dma_start3A_14 : memref<1x100xi32, #tpu.memory_space<vmem>> -> memref<100xi32, #tpu.memory_space<vmem>>
      %dma_start3A_16 = arith.constant 0 : i32
      %dma_start3A_17 = arith.constant 0 : i32
      %dma_start3A_18 = tpu.memref_slice %arg2[%dma_start3A_16, %dma_start3A_17] : memref<10000x128xf32, #tpu.memory_space<hbm>> -> memref<10000x128xf32, #tpu.memory_space<hbm>>
      tpu.enqueue_indirect_dma source(%dma_start3A_18 : memref<10000x128xf32, #tpu.memory_space<hbm>>) target(%arg9 : memref<100x128xf32, #tpu.memory_space<vmem>>) offsets(%dma_start3A_15 : memref<100xi32, #tpu.memory_space<vmem>>) semaphore(%arg11 : memref<!tpu.dma_semaphore, #tpu.memory_space<semaphore_mem>>)
      %dma_wait3A = arith.constant 0 : i32
      %dma_wait3A_19 = tpu.memref_slice %arg7[%scan3A_13, %dma_wait3A] : memref<100x100xi32, #tpu.memory_space<vmem>> -> memref<1x100xi32, #tpu.memory_space<vmem>>
      %dma_wait3A_20 = tpu.memref_squeeze %dma_wait3A_19 : memref<1x100xi32, #tpu.memory_space<vmem>> -> memref<100xi32, #tpu.memory_space<vmem>>
      %dma_wait3A_21 = arith.constant 0 : i32
      %dma_wait3A_22 = arith.constant 0 : i32
      %dma_wait3A_23 = tpu.memref_slice %arg2[%dma_wait3A_21, %dma_wait3A_22] : memref<10000x128xf32, #tpu.memory_space<hbm>> -> memref<10000x128xf32, #tpu.memory_space<hbm>>
      tpu.wait_indirect_dma semaphore(%arg11 : memref<!tpu.dma_semaphore, #tpu.memory_space<semaphore_mem>>) src(%dma_wait3A_23 : memref<10000x128xf32, #tpu.memory_space<hbm>>) dst(%arg9 : memref<100x128xf32, #tpu.memory_space<vmem>>)
      "tpu.region"() ({
        %run_scoped3A = tpu.sem_alloc : memref<!tpu.dma_semaphore, #tpu.memory_space<semaphore_mem>>
        %dma_start3A_24 = arith.constant 0 : i32
        %dma_start3A_25 = tpu.memref_slice %arg8[%scan3A_13, %dma_start3A_24] : memref<100x100xi32, #tpu.memory_space<vmem>> -> memref<1x100xi32, #tpu.memory_space<vmem>>
        %dma_start3A_26 = tpu.memref_squeeze %dma_start3A_25 : memref<1x100xi32, #tpu.memory_space<vmem>> -> memref<100xi32, #tpu.memory_space<vmem>>
        %dma_start3A_27 = arith.constant 0 : i32
        %dma_start3A_28 = arith.constant 0 : i32
        %dma_start3A_29 = tpu.memref_slice %arg10[%dma_start3A_27, %dma_start3A_28] : memref<10240x128xf32, #tpu.memory_space<vmem_shared>> -> memref<10240x128xf32, #tpu.memory_space<vmem_shared>>
        tpu.enqueue_indirect_dma source(%arg9 : memref<100x128xf32, #tpu.memory_space<vmem>>) target(%dma_start3A_29 : memref<10240x128xf32, #tpu.memory_space<vmem_shared>>) offsets(%dma_start3A_26 : memref<100xi32, #tpu.memory_space<vmem>>) semaphore(%run_scoped3A : memref<!tpu.dma_semaphore, #tpu.memory_space<semaphore_mem>>) {add = true}
        %dma_wait3A_30 = arith.constant 0 : i32
        %dma_wait3A_31 = tpu.memref_slice %arg8[%scan3A_13, %dma_wait3A_30] : memref<100x100xi32, #tpu.memory_space<vmem>> -> memref<1x100xi32, #tpu.memory_space<vmem>>
        %dma_wait3A_32 = tpu.memref_squeeze %dma_wait3A_31 : memref<1x100xi32, #tpu.memory_space<vmem>> -> memref<100xi32, #tpu.memory_space<vmem>>
        %dma_wait3A_33 = arith.constant 0 : i32
        %dma_wait3A_34 = arith.constant 0 : i32
        %dma_wait3A_35 = tpu.memref_slice %arg10[%dma_wait3A_33, %dma_wait3A_34] : memref<10240x128xf32, #tpu.memory_space<vmem_shared>> -> memref<10240x128xf32, #tpu.memory_space<vmem_shared>>
        tpu.wait_indirect_dma semaphore(%run_scoped3A : memref<!tpu.dma_semaphore, #tpu.memory_space<semaphore_mem>>) src(%arg9 : memref<100x128xf32, #tpu.memory_space<vmem>>) dst(%dma_wait3A_35 : memref<10240x128xf32, #tpu.memory_space<vmem_shared>>)
        tpu.yield
      }) : () -> ()
    }
    %scan3A_7 = arith.constant 100 : i32
    %barrier3A_8 = arith.constant 0 : index
    tpu.barrier barrier_id(%barrier3A_8)
    %mul3A_9 = arith.constant 640 : i32
    %mul3A_10 = arith.muli %arg1, %mul3A_9 : i32
    %mul3A_11 = arith.constant 640 : i32
    %mul3A_12 = arith.muli %arg1, %mul3A_11 : i32
    "tpu.region"() ({
      %run_scoped3A = tpu.sem_alloc : memref<!tpu.dma_semaphore, #tpu.memory_space<semaphore_mem>>
      %dma_start3A = arith.constant 0 : i32
      %dma_start3A_13 = arith.constant 0 : i32
      %dma_start3A_14 = tpu.memref_slice %arg6[%arg0, %dma_start3A, %dma_start3A_13] : memref<2x10240x128xf32, #tpu.memory_space<hbm>> -> memref<1x10240x128xf32, #tpu.memory_space<hbm>>
      %dma_start3A_15 = tpu.memref_squeeze %dma_start3A_14 : memref<1x10240x128xf32, #tpu.memory_space<hbm>> -> memref<10240x128xf32, #tpu.memory_space<hbm>>
      %dma_start3A_16 = arith.constant 0 : i32
      %dma_start3A_17 = tpu.memref_slice %dma_start3A_15[%mul3A_12, %dma_start3A_16] : memref<10240x128xf32, #tpu.memory_space<hbm>> -> memref<640x128xf32, #tpu.memory_space<hbm>>
      %dma_start3A_18 = arith.constant 0 : i32
      %dma_start3A_19 = tpu.memref_slice %arg10[%mul3A_10, %dma_start3A_18] : memref<10240x128xf32, #tpu.memory_space<vmem_shared>> -> memref<640x128xf32, #tpu.memory_space<vmem_shared>>
      tpu.enqueue_dma source(%dma_start3A_19 : memref<640x128xf32, #tpu.memory_space<vmem_shared>>) target(%dma_start3A_17 : memref<640x128xf32, #tpu.memory_space<hbm>>) target_semaphore(%run_scoped3A : memref<!tpu.dma_semaphore, #tpu.memory_space<semaphore_mem>>)
      %dma_wait3A = arith.constant 0 : i32
      %dma_wait3A_20 = arith.constant 0 : i32
      %dma_wait3A_21 = tpu.memref_slice %arg6[%arg0, %dma_wait3A, %dma_wait3A_20] : memref<2x10240x128xf32, #tpu.memory_space<hbm>> -> memref<1x10240x128xf32, #tpu.memory_space<hbm>>
      %dma_wait3A_22 = tpu.memref_squeeze %dma_wait3A_21 : memref<1x10240x128xf32, #tpu.memory_space<hbm>> -> memref<10240x128xf32, #tpu.memory_space<hbm>>
      %dma_wait3A_23 = arith.constant 0 : i32
      %dma_wait3A_24 = tpu.memref_slice %dma_wait3A_22[%mul3A_12, %dma_wait3A_23] : memref<10240x128xf32, #tpu.memory_space<hbm>> -> memref<640x128xf32, #tpu.memory_space<hbm>>
      %dma_wait3A_25 = arith.constant 0 : i32
      %dma_wait3A_26 = tpu.memref_slice %arg10[%mul3A_10, %dma_wait3A_25] : memref<10240x128xf32, #tpu.memory_space<vmem_shared>> -> memref<640x128xf32, #tpu.memory_space<vmem_shared>>
      tpu.wait_dma2 semaphore(%run_scoped3A : memref<!tpu.dma_semaphore, #tpu.memory_space<semaphore_mem>>) src(%dma_wait3A_26 : memref<640x128xf32, #tpu.memory_space<vmem_shared>>) dst(%dma_wait3A_24 : memref<640x128xf32, #tpu.memory_space<hbm>>)
      tpu.yield
    }) : () -> ()
    return
  }
}

#map = affine_map<(d0, d1) -> (0, 0)>
#map1 = affine_map<(d0, d1) -> (0, 0, 0)>
module attributes {stable_mosaic.version = 14 : i64} {
  func.func @run(%arg0: i32, %arg1: i32, %arg2: memref<10000x128xf32, #tpu.memory_space<hbm>>, %arg3: memref<32x100x100xi32, #tpu.memory_space<hbm>>, %arg4: memref<32x100x100xi32, #tpu.memory_space<hbm>>, %arg5: memref<640x128xf32, #tpu.memory_space<hbm>>, %arg6: memref<2x10240x128xf32, #tpu.memory_space<hbm>>, %arg7: memref<100x100xi32, #tpu.memory_space<vmem>>, %arg8: memref<100x100xi32, #tpu.memory_space<vmem>>, %arg9: memref<100x128xf32, #tpu.memory_space<vmem>>, %arg10: memref<10240x128xf32, #tpu.memory_space<vmem_shared>>, %arg11: memref<!tpu.dma_semaphore, #tpu.memory_space<semaphore_mem>>) attributes {dimension_semantics = [#tpu.dimension_semantics<core_parallel>, #tpu.dimension_semantics<subcore_parallel>], iteration_bounds = array<i64: 2, 16>, scalar_prefetch = 0 : i64, scratch_operands = 5 : i64, tpu.core_type = #tpu.core_type<sc_vector_subcore>, window_params = [{transform_indices = #map}, {transform_indices = #map1}, {transform_indices = #map1}, {transform_indices = #map}, {transform_indices = #map1}]} {
    %mul3A = arith.constant 16 : i32
    %mul3A_0 = arith.muli %arg0, %mul3A : i32
    %add3A = arith.addi %mul3A_0, %arg1 : i32
    "tpu.region"() ({
      %run_scoped3A = tpu.sem_alloc : memref<!tpu.dma_semaphore, #tpu.memory_space<semaphore_mem>>
      %dma_start3A = arith.constant 0 : i32
      %dma_start3A_13 = arith.constant 0 : i32
      %dma_start3A_14 = tpu.memref_slice %arg3[%add3A, %dma_start3A, %dma_start3A_13] : memref<32x100x100xi32, #tpu.memory_space<hbm>> -> memref<1x100x100xi32, #tpu.memory_space<hbm>>
      %dma_start3A_15 = tpu.memref_squeeze %dma_start3A_14 : memref<1x100x100xi32, #tpu.memory_space<hbm>> -> memref<100x100xi32, #tpu.memory_space<hbm>>
      %dma_start3A_16 = arith.constant 0 : i32
      %dma_start3A_17 = arith.constant 0 : i32
      %dma_start3A_18 = tpu.memref_slice %arg3[%add3A, %dma_start3A_16, %dma_start3A_17] : memref<32x100x100xi32, #tpu.memory_space<hbm>> -> memref<1x100x100xi32, #tpu.memory_space<hbm>>
      %dma_start3A_19 = tpu.memref_squeeze %dma_start3A_18 : memref<1x100x100xi32, #tpu.memory_space<hbm>> -> memref<100x100xi32, #tpu.memory_space<hbm>>
      tpu.enqueue_dma source(%dma_start3A_19 : memref<100x100xi32, #tpu.memory_space<hbm>>) target(%arg7 : memref<100x100xi32, #tpu.memory_space<vmem>>) target_semaphore(%run_scoped3A : memref<!tpu.dma_semaphore, #tpu.memory_space<semaphore_mem>>)
      %dma_wait3A = arith.constant 0 : i32
      %dma_wait3A_20 = arith.constant 0 : i32
      %dma_wait3A_21 = tpu.memref_slice %arg3[%add3A, %dma_wait3A, %dma_wait3A_20] : memref<32x100x100xi32, #tpu.memory_space<hbm>> -> memref<1x100x100xi32, #tpu.memory_space<hbm>>
      %dma_wait3A_22 = tpu.memref_squeeze %dma_wait3A_21 : memref<1x100x100xi32, #tpu.memory_space<hbm>> -> memref<100x100xi32, #tpu.memory_space<hbm>>
      %dma_wait3A_23 = arith.constant 0 : i32
      %dma_wait3A_24 = arith.constant 0 : i32
      %dma_wait3A_25 = tpu.memref_slice %arg3[%add3A, %dma_wait3A_23, %dma_wait3A_24] : memref<32x100x100xi32, #tpu.memory_space<hbm>> -> memref<1x100x100xi32, #tpu.memory_space<hbm>>
      %dma_wait3A_26 = tpu.memref_squeeze %dma_wait3A_25 : memref<1x100x100xi32, #tpu.memory_space<hbm>> -> memref<100x100xi32, #tpu.memory_space<hbm>>
      tpu.wait_dma2 semaphore(%run_scoped3A : memref<!tpu.dma_semaphore, #tpu.memory_space<semaphore_mem>>) src(%dma_wait3A_26 : memref<100x100xi32, #tpu.memory_space<hbm>>) dst(%arg7 : memref<100x100xi32, #tpu.memory_space<vmem>>)
      tpu.yield
    }) : () -> ()
    "tpu.region"() ({
      %run_scoped3A = tpu.sem_alloc : memref<!tpu.dma_semaphore, #tpu.memory_space<semaphore_mem>>
      %dma_start3A = arith.constant 0 : i32
      %dma_start3A_13 = arith.constant 0 : i32
      %dma_start3A_14 = tpu.memref_slice %arg4[%add3A, %dma_start3A, %dma_start3A_13] : memref<32x100x100xi32, #tpu.memory_space<hbm>> -> memref<1x100x100xi32, #tpu.memory_space<hbm>>
      %dma_start3A_15 = tpu.memref_squeeze %dma_start3A_14 : memref<1x100x100xi32, #tpu.memory_space<hbm>> -> memref<100x100xi32, #tpu.memory_space<hbm>>
      %dma_start3A_16 = arith.constant 0 : i32
      %dma_start3A_17 = arith.constant 0 : i32
      %dma_start3A_18 = tpu.memref_slice %arg4[%add3A, %dma_start3A_16, %dma_start3A_17] : memref<32x100x100xi32, #tpu.memory_space<hbm>> -> memref<1x100x100xi32, #tpu.memory_space<hbm>>
      %dma_start3A_19 = tpu.memref_squeeze %dma_start3A_18 : memref<1x100x100xi32, #tpu.memory_space<hbm>> -> memref<100x100xi32, #tpu.memory_space<hbm>>
      tpu.enqueue_dma source(%dma_start3A_19 : memref<100x100xi32, #tpu.memory_space<hbm>>) target(%arg8 : memref<100x100xi32, #tpu.memory_space<vmem>>) target_semaphore(%run_scoped3A : memref<!tpu.dma_semaphore, #tpu.memory_space<semaphore_mem>>)
      %dma_wait3A = arith.constant 0 : i32
      %dma_wait3A_20 = arith.constant 0 : i32
      %dma_wait3A_21 = tpu.memref_slice %arg4[%add3A, %dma_wait3A, %dma_wait3A_20] : memref<32x100x100xi32, #tpu.memory_space<hbm>> -> memref<1x100x100xi32, #tpu.memory_space<hbm>>
      %dma_wait3A_22 = tpu.memref_squeeze %dma_wait3A_21 : memref<1x100x100xi32, #tpu.memory_space<hbm>> -> memref<100x100xi32, #tpu.memory_space<hbm>>
      %dma_wait3A_23 = arith.constant 0 : i32
      %dma_wait3A_24 = arith.constant 0 : i32
      %dma_wait3A_25 = tpu.memref_slice %arg4[%add3A, %dma_wait3A_23, %dma_wait3A_24] : memref<32x100x100xi32, #tpu.memory_space<hbm>> -> memref<1x100x100xi32, #tpu.memory_space<hbm>>
      %dma_wait3A_26 = tpu.memref_squeeze %dma_wait3A_25 : memref<1x100x100xi32, #tpu.memory_space<hbm>> -> memref<100x100xi32, #tpu.memory_space<hbm>>
      tpu.wait_dma2 semaphore(%run_scoped3A : memref<!tpu.dma_semaphore, #tpu.memory_space<semaphore_mem>>) src(%dma_wait3A_26 : memref<100x100xi32, #tpu.memory_space<hbm>>) dst(%arg8 : memref<100x100xi32, #tpu.memory_space<vmem>>)
      tpu.yield
    }) : () -> ()
    %mul3A_1 = arith.constant 640 : i32
    %mul3A_2 = arith.muli %arg1, %mul3A_1 : i32
    "tpu.region"() ({
      %run_scoped3A = tpu.sem_alloc : memref<!tpu.dma_semaphore, #tpu.memory_space<semaphore_mem>>
      %dma_start3A = arith.constant 0 : i32
      %dma_start3A_13 = tpu.memref_slice %arg10[%mul3A_2, %dma_start3A] : memref<10240x128xf32, #tpu.memory_space<vmem_shared>> -> memref<640x128xf32, #tpu.memory_space<vmem_shared>>
      tpu.enqueue_dma source(%arg5 : memref<640x128xf32, #tpu.memory_space<hbm>>) target(%dma_start3A_13 : memref<640x128xf32, #tpu.memory_space<vmem_shared>>) target_semaphore(%run_scoped3A : memref<!tpu.dma_semaphore, #tpu.memory_space<semaphore_mem>>)
      %dma_wait3A = arith.constant 0 : i32
      %dma_wait3A_14 = tpu.memref_slice %arg10[%mul3A_2, %dma_wait3A] : memref<10240x128xf32, #tpu.memory_space<vmem_shared>> -> memref<640x128xf32, #tpu.memory_space<vmem_shared>>
      tpu.wait_dma2 semaphore(%run_scoped3A : memref<!tpu.dma_semaphore, #tpu.memory_space<semaphore_mem>>) src(%arg5 : memref<640x128xf32, #tpu.memory_space<hbm>>) dst(%dma_wait3A_14 : memref<640x128xf32, #tpu.memory_space<vmem_shared>>)
      tpu.yield
    }) : () -> ()
    %barrier3A = arith.constant 0 : index
    tpu.barrier barrier_id(%barrier3A)
    %scan3A = arith.constant 0 : i32
    %scan3A_3 = arith.constant 0 : i32
    %scan3A_4 = arith.constant 100 : i32
    %scan3A_5 = arith.addi %scan3A_3, %scan3A_4 : i32
    %scan3A_6 = arith.constant 1 : i32
    scf.for %scan3A_13 = %scan3A_3 to %scan3A_5 step %scan3A_6  : i32 {
      %dma_start3A = arith.constant 0 : i32
      %dma_start3A_14 = tpu.memref_slice %arg7[%scan3A_13, %dma_start3A] : memref<100x100xi32, #tpu.memory_space<vmem>> -> memref<1x100xi32, #tpu.memory_space<vmem>>
      %dma_start3A_15 = tpu.memref_squeeze %dma_start3A_14 : memref<1x100xi32, #tpu.memory_space<vmem>> -> memref<100xi32, #tpu.memory_space<vmem>>
      %dma_start3A_16 = arith.constant 0 : i32
      %dma_start3A_17 = arith.constant 0 : i32
      %dma_start3A_18 = tpu.memref_slice %arg2[%dma_start3A_16, %dma_start3A_17] : memref<10000x128xf32, #tpu.memory_space<hbm>> -> memref<10000x128xf32, #tpu.memory_space<hbm>>
      tpu.enqueue_indirect_dma source(%dma_start3A_18 : memref<10000x128xf32, #tpu.memory_space<hbm>>) target(%arg9 : memref<100x128xf32, #tpu.memory_space<vmem>>) offsets(%dma_start3A_15 : memref<100xi32, #tpu.memory_space<vmem>>) semaphore(%arg11 : memref<!tpu.dma_semaphore, #tpu.memory_space<semaphore_mem>>)
      %dma_wait3A = arith.constant 0 : i32
      %dma_wait3A_19 = tpu.memref_slice %arg7[%scan3A_13, %dma_wait3A] : memref<100x100xi32, #tpu.memory_space<vmem>> -> memref<1x100xi32, #tpu.memory_space<vmem>>
      %dma_wait3A_20 = tpu.memref_squeeze %dma_wait3A_19 : memref<1x100xi32, #tpu.memory_space<vmem>> -> memref<100xi32, #tpu.memory_space<vmem>>
      %dma_wait3A_21 = arith.constant 0 : i32
      %dma_wait3A_22 = arith.constant 0 : i32
      %dma_wait3A_23 = tpu.memref_slice %arg2[%dma_wait3A_21, %dma_wait3A_22] : memref<10000x128xf32, #tpu.memory_space<hbm>> -> memref<10000x128xf32, #tpu.memory_space<hbm>>
      tpu.wait_indirect_dma semaphore(%arg11 : memref<!tpu.dma_semaphore, #tpu.memory_space<semaphore_mem>>) src(%dma_wait3A_23 : memref<10000x128xf32, #tpu.memory_space<hbm>>) dst(%arg9 : memref<100x128xf32, #tpu.memory_space<vmem>>)
      "tpu.region"() ({
        %run_scoped3A = tpu.sem_alloc : memref<!tpu.dma_semaphore, #tpu.memory_space<semaphore_mem>>
        %dma_start3A_24 = arith.constant 0 : i32
        %dma_start3A_25 = tpu.memref_slice %arg8[%scan3A_13, %dma_start3A_24] : memref<100x100xi32, #tpu.memory_space<vmem>> -> memref<1x100xi32, #tpu.memory_space<vmem>>
        %dma_start3A_26 = tpu.memref_squeeze %dma_start3A_25 : memref<1x100xi32, #tpu.memory_space<vmem>> -> memref<100xi32, #tpu.memory_space<vmem>>
        %dma_start3A_27 = arith.constant 0 : i32
        %dma_start3A_28 = arith.constant 0 : i32
        %dma_start3A_29 = tpu.memref_slice %arg10[%dma_start3A_27, %dma_start3A_28] : memref<10240x128xf32, #tpu.memory_space<vmem_shared>> -> memref<10240x128xf32, #tpu.memory_space<vmem_shared>>
        tpu.enqueue_indirect_dma source(%arg9 : memref<100x128xf32, #tpu.memory_space<vmem>>) target(%dma_start3A_29 : memref<10240x128xf32, #tpu.memory_space<vmem_shared>>) offsets(%dma_start3A_26 : memref<100xi32, #tpu.memory_space<vmem>>) semaphore(%run_scoped3A : memref<!tpu.dma_semaphore, #tpu.memory_space<semaphore_mem>>) {add = true}
        %dma_wait3A_30 = arith.constant 0 : i32
        %dma_wait3A_31 = tpu.memref_slice %arg8[%scan3A_13, %dma_wait3A_30] : memref<100x100xi32, #tpu.memory_space<vmem>> -> memref<1x100xi32, #tpu.memory_space<vmem>>
        %dma_wait3A_32 = tpu.memref_squeeze %dma_wait3A_31 : memref<1x100xi32, #tpu.memory_space<vmem>> -> memref<100xi32, #tpu.memory_space<vmem>>
        %dma_wait3A_33 = arith.constant 0 : i32
        %dma_wait3A_34 = arith.constant 0 : i32
        %dma_wait3A_35 = tpu.memref_slice %arg10[%dma_wait3A_33, %dma_wait3A_34] : memref<10240x128xf32, #tpu.memory_space<vmem_shared>> -> memref<10240x128xf32, #tpu.memory_space<vmem_shared>>
        tpu.wait_indirect_dma semaphore(%run_scoped3A : memref<!tpu.dma_semaphore, #tpu.memory_space<semaphore_mem>>) src(%arg9 : memref<100x128xf32, #tpu.memory_space<vmem>>) dst(%dma_wait3A_35 : memref<10240x128xf32, #tpu.memory_space<vmem_shared>>)
        tpu.yield
      }) : () -> ()
    }
    %scan3A_7 = arith.constant 100 : i32
    %barrier3A_8 = arith.constant 0 : index
    tpu.barrier barrier_id(%barrier3A_8)
    %mul3A_9 = arith.constant 640 : i32
    %mul3A_10 = arith.muli %arg1, %mul3A_9 : i32
    %mul3A_11 = arith.constant 640 : i32
    %mul3A_12 = arith.muli %arg1, %mul3A_11 : i32
    "tpu.region"() ({
      %run_scoped3A = tpu.sem_alloc : memref<!tpu.dma_semaphore, #tpu.memory_space<semaphore_mem>>
      %dma_start3A = arith.constant 0 : i32
      %dma_start3A_13 = arith.constant 0 : i32
      %dma_start3A_14 = tpu.memref_slice %arg6[%arg0, %dma_start3A, %dma_start3A_13] : memref<2x10240x128xf32, #tpu.memory_space<hbm>> -> memref<1x10240x128xf32, #tpu.memory_space<hbm>>
      %dma_start3A_15 = tpu.memref_squeeze %dma_start3A_14 : memref<1x10240x128xf32, #tpu.memory_space<hbm>> -> memref<10240x128xf32, #tpu.memory_space<hbm>>
      %dma_start3A_16 = arith.constant 0 : i32
      %dma_start3A_17 = tpu.memref_slice %dma_start3A_15[%mul3A_12, %dma_start3A_16] : memref<10240x128xf32, #tpu.memory_space<hbm>> -> memref<640x128xf32, #tpu.memory_space<hbm>>
      %dma_start3A_18 = arith.constant 0 : i32
      %dma_start3A_19 = tpu.memref_slice %arg10[%mul3A_10, %dma_start3A_18] : memref<10240x128xf32, #tpu.memory_space<vmem_shared>> -> memref<640x128xf32, #tpu.memory_space<vmem_shared>>
      tpu.enqueue_dma source(%dma_start3A_19 : memref<640x128xf32, #tpu.memory_space<vmem_shared>>) target(%dma_start3A_17 : memref<640x128xf32, #tpu.memory_space<hbm>>) target_semaphore(%run_scoped3A : memref<!tpu.dma_semaphore, #tpu.memory_space<semaphore_mem>>)
      %dma_wait3A = arith.constant 0 : i32
      %dma_wait3A_20 = arith.constant 0 : i32
      %dma_wait3A_21 = tpu.memref_slice %arg6[%arg0, %dma_wait3A, %dma_wait3A_20] : memref<2x10240x128xf32, #tpu.memory_space<hbm>> -> memref<1x10240x128xf32, #tpu.memory_space<hbm>>
      %dma_wait3A_22 = tpu.memref_squeeze %dma_wait3A_21 : memref<1x10240x128xf32, #tpu.memory_space<hbm>> -> memref<10240x128xf32, #tpu.memory_space<hbm>>
      %dma_wait3A_23 = arith.constant 0 : i32
      %dma_wait3A_24 = tpu.memref_slice %dma_wait3A_22[%mul3A_12, %dma_wait3A_23] : memref<10240x128xf32, #tpu.memory_space<hbm>> -> memref<640x128xf32, #tpu.memory_space<hbm>>
      %dma_wait3A_25 = arith.constant 0 : i32
      %dma_wait3A_26 = tpu.memref_slice %arg10[%mul3A_10, %dma_wait3A_25] : memref<10240x128xf32, #tpu.memory_space<vmem_shared>> -> memref<640x128xf32, #tpu.memory_space<vmem_shared>>
      tpu.wait_dma2 semaphore(%run_scoped3A : memref<!tpu.dma_semaphore, #tpu.memory_space<semaphore_mem>>) src(%dma_wait3A_26 : memref<640x128xf32, #tpu.memory_space<vmem_shared>>) dst(%dma_wait3A_24 : memref<640x128xf32, #tpu.memory_space<hbm>>)
      tpu.yield
    }) : () -> ()
    return
  }
}

#map = affine_map<(d0, d1) -> (0, 0)>
#map1 = affine_map<(d0, d1) -> (0, 0, 0)>
module attributes {stable_mosaic.version = 14 : i64} {
  func.func @run(%arg0: i32, %arg1: i32, %arg2: memref<10000x128xf32, #tpu.memory_space<hbm>>, %arg3: memref<32x100x100xi32, #tpu.memory_space<hbm>>, %arg4: memref<32x100x100xi32, #tpu.memory_space<hbm>>, %arg5: memref<640x128xf32, #tpu.memory_space<hbm>>, %arg6: memref<2x10240x128xf32, #tpu.memory_space<hbm>>, %arg7: memref<100x100xi32, #tpu.memory_space<vmem>>, %arg8: memref<100x100xi32, #tpu.memory_space<vmem>>, %arg9: memref<100x128xf32, #tpu.memory_space<vmem>>, %arg10: memref<10240x128xf32, #tpu.memory_space<vmem_shared>>, %arg11: memref<!tpu.dma_semaphore, #tpu.memory_space<semaphore_mem>>) attributes {dimension_semantics = [#tpu.dimension_semantics<core_parallel>, #tpu.dimension_semantics<subcore_parallel>], iteration_bounds = array<i64: 2, 16>, scalar_prefetch = 0 : i64, scratch_operands = 5 : i64, tpu.core_type = #tpu.core_type<sc_vector_subcore>, window_params = [{transform_indices = #map}, {transform_indices = #map1}, {transform_indices = #map1}, {transform_indices = #map}, {transform_indices = #map1}]} {
    %mul3A = arith.constant 16 : i32
    %mul3A_0 = arith.muli %arg0, %mul3A : i32
    %add3A = arith.addi %mul3A_0, %arg1 : i32
    "tpu.region"() ({
      %run_scoped3A = tpu.sem_alloc : memref<!tpu.dma_semaphore, #tpu.memory_space<semaphore_mem>>
      %dma_start3A = arith.constant 0 : i32
      %dma_start3A_13 = arith.constant 0 : i32
      %dma_start3A_14 = tpu.memref_slice %arg3[%add3A, %dma_start3A, %dma_start3A_13] : memref<32x100x100xi32, #tpu.memory_space<hbm>> -> memref<1x100x100xi32, #tpu.memory_space<hbm>>
      %dma_start3A_15 = tpu.memref_squeeze %dma_start3A_14 : memref<1x100x100xi32, #tpu.memory_space<hbm>> -> memref<100x100xi32, #tpu.memory_space<hbm>>
      %dma_start3A_16 = arith.constant 0 : i32
      %dma_start3A_17 = arith.constant 0 : i32
      %dma_start3A_18 = tpu.memref_slice %arg3[%add3A, %dma_start3A_16, %dma_start3A_17] : memref<32x100x100xi32, #tpu.memory_space<hbm>> -> memref<1x100x100xi32, #tpu.memory_space<hbm>>
      %dma_start3A_19 = tpu.memref_squeeze %dma_start3A_18 : memref<1x100x100xi32, #tpu.memory_space<hbm>> -> memref<100x100xi32, #tpu.memory_space<hbm>>
      tpu.enqueue_dma source(%dma_start3A_19 : memref<100x100xi32, #tpu.memory_space<hbm>>) target(%arg7 : memref<100x100xi32, #tpu.memory_space<vmem>>) target_semaphore(%run_scoped3A : memref<!tpu.dma_semaphore, #tpu.memory_space<semaphore_mem>>)
      %dma_wait3A = arith.constant 0 : i32
      %dma_wait3A_20 = arith.constant 0 : i32
      %dma_wait3A_21 = tpu.memref_slice %arg3[%add3A, %dma_wait3A, %dma_wait3A_20] : memref<32x100x100xi32, #tpu.memory_space<hbm>> -> memref<1x100x100xi32, #tpu.memory_space<hbm>>
      %dma_wait3A_22 = tpu.memref_squeeze %dma_wait3A_21 : memref<1x100x100xi32, #tpu.memory_space<hbm>> -> memref<100x100xi32, #tpu.memory_space<hbm>>
      %dma_wait3A_23 = arith.constant 0 : i32
      %dma_wait3A_24 = arith.constant 0 : i32
      %dma_wait3A_25 = tpu.memref_slice %arg3[%add3A, %dma_wait3A_23, %dma_wait3A_24] : memref<32x100x100xi32, #tpu.memory_space<hbm>> -> memref<1x100x100xi32, #tpu.memory_space<hbm>>
      %dma_wait3A_26 = tpu.memref_squeeze %dma_wait3A_25 : memref<1x100x100xi32, #tpu.memory_space<hbm>> -> memref<100x100xi32, #tpu.memory_space<hbm>>
      tpu.wait_dma2 semaphore(%run_scoped3A : memref<!tpu.dma_semaphore, #tpu.memory_space<semaphore_mem>>) src(%dma_wait3A_26 : memref<100x100xi32, #tpu.memory_space<hbm>>) dst(%arg7 : memref<100x100xi32, #tpu.memory_space<vmem>>)
      tpu.yield
    }) : () -> ()
    "tpu.region"() ({
      %run_scoped3A = tpu.sem_alloc : memref<!tpu.dma_semaphore, #tpu.memory_space<semaphore_mem>>
      %dma_start3A = arith.constant 0 : i32
      %dma_start3A_13 = arith.constant 0 : i32
      %dma_start3A_14 = tpu.memref_slice %arg4[%add3A, %dma_start3A, %dma_start3A_13] : memref<32x100x100xi32, #tpu.memory_space<hbm>> -> memref<1x100x100xi32, #tpu.memory_space<hbm>>
      %dma_start3A_15 = tpu.memref_squeeze %dma_start3A_14 : memref<1x100x100xi32, #tpu.memory_space<hbm>> -> memref<100x100xi32, #tpu.memory_space<hbm>>
      %dma_start3A_16 = arith.constant 0 : i32
      %dma_start3A_17 = arith.constant 0 : i32
      %dma_start3A_18 = tpu.memref_slice %arg4[%add3A, %dma_start3A_16, %dma_start3A_17] : memref<32x100x100xi32, #tpu.memory_space<hbm>> -> memref<1x100x100xi32, #tpu.memory_space<hbm>>
      %dma_start3A_19 = tpu.memref_squeeze %dma_start3A_18 : memref<1x100x100xi32, #tpu.memory_space<hbm>> -> memref<100x100xi32, #tpu.memory_space<hbm>>
      tpu.enqueue_dma source(%dma_start3A_19 : memref<100x100xi32, #tpu.memory_space<hbm>>) target(%arg8 : memref<100x100xi32, #tpu.memory_space<vmem>>) target_semaphore(%run_scoped3A : memref<!tpu.dma_semaphore, #tpu.memory_space<semaphore_mem>>)
      %dma_wait3A = arith.constant 0 : i32
      %dma_wait3A_20 = arith.constant 0 : i32
      %dma_wait3A_21 = tpu.memref_slice %arg4[%add3A, %dma_wait3A, %dma_wait3A_20] : memref<32x100x100xi32, #tpu.memory_space<hbm>> -> memref<1x100x100xi32, #tpu.memory_space<hbm>>
      %dma_wait3A_22 = tpu.memref_squeeze %dma_wait3A_21 : memref<1x100x100xi32, #tpu.memory_space<hbm>> -> memref<100x100xi32, #tpu.memory_space<hbm>>
      %dma_wait3A_23 = arith.constant 0 : i32
      %dma_wait3A_24 = arith.constant 0 : i32
      %dma_wait3A_25 = tpu.memref_slice %arg4[%add3A, %dma_wait3A_23, %dma_wait3A_24] : memref<32x100x100xi32, #tpu.memory_space<hbm>> -> memref<1x100x100xi32, #tpu.memory_space<hbm>>
      %dma_wait3A_26 = tpu.memref_squeeze %dma_wait3A_25 : memref<1x100x100xi32, #tpu.memory_space<hbm>> -> memref<100x100xi32, #tpu.memory_space<hbm>>
      tpu.wait_dma2 semaphore(%run_scoped3A : memref<!tpu.dma_semaphore, #tpu.memory_space<semaphore_mem>>) src(%dma_wait3A_26 : memref<100x100xi32, #tpu.memory_space<hbm>>) dst(%arg8 : memref<100x100xi32, #tpu.memory_space<vmem>>)
      tpu.yield
    }) : () -> ()
    %mul3A_1 = arith.constant 640 : i32
    %mul3A_2 = arith.muli %arg1, %mul3A_1 : i32
    "tpu.region"() ({
      %run_scoped3A = tpu.sem_alloc : memref<!tpu.dma_semaphore, #tpu.memory_space<semaphore_mem>>
      %dma_start3A = arith.constant 0 : i32
      %dma_start3A_13 = tpu.memref_slice %arg10[%mul3A_2, %dma_start3A] : memref<10240x128xf32, #tpu.memory_space<vmem_shared>> -> memref<640x128xf32, #tpu.memory_space<vmem_shared>>
      tpu.enqueue_dma source(%arg5 : memref<640x128xf32, #tpu.memory_space<hbm>>) target(%dma_start3A_13 : memref<640x128xf32, #tpu.memory_space<vmem_shared>>) target_semaphore(%run_scoped3A : memref<!tpu.dma_semaphore, #tpu.memory_space<semaphore_mem>>)
      %dma_wait3A = arith.constant 0 : i32
      %dma_wait3A_14 = tpu.memref_slice %arg10[%mul3A_2, %dma_wait3A] : memref<10240x128xf32, #tpu.memory_space<vmem_shared>> -> memref<640x128xf32, #tpu.memory_space<vmem_shared>>
      tpu.wait_dma2 semaphore(%run_scoped3A : memref<!tpu.dma_semaphore, #tpu.memory_space<semaphore_mem>>) src(%arg5 : memref<640x128xf32, #tpu.memory_space<hbm>>) dst(%dma_wait3A_14 : memref<640x128xf32, #tpu.memory_space<vmem_shared>>)
      tpu.yield
    }) : () -> ()
    %barrier3A = arith.constant 0 : index
    tpu.barrier barrier_id(%barrier3A)
    %scan3A = arith.constant 0 : i32
    %scan3A_3 = arith.constant 0 : i32
    %scan3A_4 = arith.constant 100 : i32
    %scan3A_5 = arith.addi %scan3A_3, %scan3A_4 : i32
    %scan3A_6 = arith.constant 1 : i32
    scf.for %scan3A_13 = %scan3A_3 to %scan3A_5 step %scan3A_6  : i32 {
      %dma_start3A = arith.constant 0 : i32
      %dma_start3A_14 = tpu.memref_slice %arg7[%scan3A_13, %dma_start3A] : memref<100x100xi32, #tpu.memory_space<vmem>> -> memref<1x100xi32, #tpu.memory_space<vmem>>
      %dma_start3A_15 = tpu.memref_squeeze %dma_start3A_14 : memref<1x100xi32, #tpu.memory_space<vmem>> -> memref<100xi32, #tpu.memory_space<vmem>>
      %dma_start3A_16 = arith.constant 0 : i32
      %dma_start3A_17 = arith.constant 0 : i32
      %dma_start3A_18 = tpu.memref_slice %arg2[%dma_start3A_16, %dma_start3A_17] : memref<10000x128xf32, #tpu.memory_space<hbm>> -> memref<10000x128xf32, #tpu.memory_space<hbm>>
      tpu.enqueue_indirect_dma source(%dma_start3A_18 : memref<10000x128xf32, #tpu.memory_space<hbm>>) target(%arg9 : memref<100x128xf32, #tpu.memory_space<vmem>>) offsets(%dma_start3A_15 : memref<100xi32, #tpu.memory_space<vmem>>) semaphore(%arg11 : memref<!tpu.dma_semaphore, #tpu.memory_space<semaphore_mem>>)
      %dma_wait3A = arith.constant 0 : i32
      %dma_wait3A_19 = tpu.memref_slice %arg7[%scan3A_13, %dma_wait3A] : memref<100x100xi32, #tpu.memory_space<vmem>> -> memref<1x100xi32, #tpu.memory_space<vmem>>
      %dma_wait3A_20 = tpu.memref_squeeze %dma_wait3A_19 : memref<1x100xi32, #tpu.memory_space<vmem>> -> memref<100xi32, #tpu.memory_space<vmem>>
      %dma_wait3A_21 = arith.constant 0 : i32
      %dma_wait3A_22 = arith.constant 0 : i32
      %dma_wait3A_23 = tpu.memref_slice %arg2[%dma_wait3A_21, %dma_wait3A_22] : memref<10000x128xf32, #tpu.memory_space<hbm>> -> memref<10000x128xf32, #tpu.memory_space<hbm>>
      tpu.wait_indirect_dma semaphore(%arg11 : memref<!tpu.dma_semaphore, #tpu.memory_space<semaphore_mem>>) src(%dma_wait3A_23 : memref<10000x128xf32, #tpu.memory_space<hbm>>) dst(%arg9 : memref<100x128xf32, #tpu.memory_space<vmem>>)
      "tpu.region"() ({
        %run_scoped3A = tpu.sem_alloc : memref<!tpu.dma_semaphore, #tpu.memory_space<semaphore_mem>>
        %dma_start3A_24 = arith.constant 0 : i32
        %dma_start3A_25 = tpu.memref_slice %arg8[%scan3A_13, %dma_start3A_24] : memref<100x100xi32, #tpu.memory_space<vmem>> -> memref<1x100xi32, #tpu.memory_space<vmem>>
        %dma_start3A_26 = tpu.memref_squeeze %dma_start3A_25 : memref<1x100xi32, #tpu.memory_space<vmem>> -> memref<100xi32, #tpu.memory_space<vmem>>
        %dma_start3A_27 = arith.constant 0 : i32
        %dma_start3A_28 = arith.constant 0 : i32
        %dma_start3A_29 = tpu.memref_slice %arg10[%dma_start3A_27, %dma_start3A_28] : memref<10240x128xf32, #tpu.memory_space<vmem_shared>> -> memref<10240x128xf32, #tpu.memory_space<vmem_shared>>
        tpu.enqueue_indirect_dma source(%arg9 : memref<100x128xf32, #tpu.memory_space<vmem>>) target(%dma_start3A_29 : memref<10240x128xf32, #tpu.memory_space<vmem_shared>>) offsets(%dma_start3A_26 : memref<100xi32, #tpu.memory_space<vmem>>) semaphore(%run_scoped3A : memref<!tpu.dma_semaphore, #tpu.memory_space<semaphore_mem>>) {add = true}
        %dma_wait3A_30 = arith.constant 0 : i32
        %dma_wait3A_31 = tpu.memref_slice %arg8[%scan3A_13, %dma_wait3A_30] : memref<100x100xi32, #tpu.memory_space<vmem>> -> memref<1x100xi32, #tpu.memory_space<vmem>>
        %dma_wait3A_32 = tpu.memref_squeeze %dma_wait3A_31 : memref<1x100xi32, #tpu.memory_space<vmem>> -> memref<100xi32, #tpu.memory_space<vmem>>
        %dma_wait3A_33 = arith.constant 0 : i32
        %dma_wait3A_34 = arith.constant 0 : i32
        %dma_wait3A_35 = tpu.memref_slice %arg10[%dma_wait3A_33, %dma_wait3A_34] : memref<10240x128xf32, #tpu.memory_space<vmem_shared>> -> memref<10240x128xf32, #tpu.memory_space<vmem_shared>>
        tpu.wait_indirect_dma semaphore(%run_scoped3A : memref<!tpu.dma_semaphore, #tpu.memory_space<semaphore_mem>>) src(%arg9 : memref<100x128xf32, #tpu.memory_space<vmem>>) dst(%dma_wait3A_35 : memref<10240x128xf32, #tpu.memory_space<vmem_shared>>)
        tpu.yield
      }) : () -> ()
    }
    %scan3A_7 = arith.constant 100 : i32
    %barrier3A_8 = arith.constant 0 : index
    tpu.barrier barrier_id(%barrier3A_8)
    %mul3A_9 = arith.constant 640 : i32
    %mul3A_10 = arith.muli %arg1, %mul3A_9 : i32
    %mul3A_11 = arith.constant 640 : i32
    %mul3A_12 = arith.muli %arg1, %mul3A_11 : i32
    "tpu.region"() ({
      %run_scoped3A = tpu.sem_alloc : memref<!tpu.dma_semaphore, #tpu.memory_space<semaphore_mem>>
      %dma_start3A = arith.constant 0 : i32
      %dma_start3A_13 = arith.constant 0 : i32
      %dma_start3A_14 = tpu.memref_slice %arg6[%arg0, %dma_start3A, %dma_start3A_13] : memref<2x10240x128xf32, #tpu.memory_space<hbm>> -> memref<1x10240x128xf32, #tpu.memory_space<hbm>>
      %dma_start3A_15 = tpu.memref_squeeze %dma_start3A_14 : memref<1x10240x128xf32, #tpu.memory_space<hbm>> -> memref<10240x128xf32, #tpu.memory_space<hbm>>
      %dma_start3A_16 = arith.constant 0 : i32
      %dma_start3A_17 = tpu.memref_slice %dma_start3A_15[%mul3A_12, %dma_start3A_16] : memref<10240x128xf32, #tpu.memory_space<hbm>> -> memref<640x128xf32, #tpu.memory_space<hbm>>
      %dma_start3A_18 = arith.constant 0 : i32
      %dma_start3A_19 = tpu.memref_slice %arg10[%mul3A_10, %dma_start3A_18] : memref<10240x128xf32, #tpu.memory_space<vmem_shared>> -> memref<640x128xf32, #tpu.memory_space<vmem_shared>>
      tpu.enqueue_dma source(%dma_start3A_19 : memref<640x128xf32, #tpu.memory_space<vmem_shared>>) target(%dma_start3A_17 : memref<640x128xf32, #tpu.memory_space<hbm>>) target_semaphore(%run_scoped3A : memref<!tpu.dma_semaphore, #tpu.memory_space<semaphore_mem>>)
      %dma_wait3A = arith.constant 0 : i32
      %dma_wait3A_20 = arith.constant 0 : i32
      %dma_wait3A_21 = tpu.memref_slice %arg6[%arg0, %dma_wait3A, %dma_wait3A_20] : memref<2x10240x128xf32, #tpu.memory_space<hbm>> -> memref<1x10240x128xf32, #tpu.memory_space<hbm>>
      %dma_wait3A_22 = tpu.memref_squeeze %dma_wait3A_21 : memref<1x10240x128xf32, #tpu.memory_space<hbm>> -> memref<10240x128xf32, #tpu.memory_space<hbm>>
      %dma_wait3A_23 = arith.constant 0 : i32
      %dma_wait3A_24 = tpu.memref_slice %dma_wait3A_22[%mul3A_12, %dma_wait3A_23] : memref<10240x128xf32, #tpu.memory_space<hbm>> -> memref<640x128xf32, #tpu.memory_space<hbm>>
      %dma_wait3A_25 = arith.constant 0 : i32
      %dma_wait3A_26 = tpu.memref_slice %arg10[%mul3A_10, %dma_wait3A_25] : memref<10240x128xf32, #tpu.memory_space<vmem_shared>> -> memref<640x128xf32, #tpu.memory_space<vmem_shared>>
      tpu.wait_dma2 semaphore(%run_scoped3A : memref<!tpu.dma_semaphore, #tpu.memory_space<semaphore_mem>>) src(%dma_wait3A_26 : memref<640x128xf32, #tpu.memory_space<vmem_shared>>) dst(%dma_wait3A_24 : memref<640x128xf32, #tpu.memory_space<hbm>>)
      tpu.yield
    }) : () -> ()
    return
  }
}

#map = affine_map<(d0, d1) -> (0, 0)>
#map1 = affine_map<(d0, d1) -> (0, 0, 0)>
module attributes {stable_mosaic.version = 14 : i64} {
  func.func @run(%arg0: i32, %arg1: i32, %arg2: memref<10000x128xf32, #tpu.memory_space<hbm>>, %arg3: memref<32x100x100xi32, #tpu.memory_space<hbm>>, %arg4: memref<32x100x100xi32, #tpu.memory_space<hbm>>, %arg5: memref<640x128xf32, #tpu.memory_space<hbm>>, %arg6: memref<2x10240x128xf32, #tpu.memory_space<hbm>>, %arg7: memref<100x100xi32, #tpu.memory_space<vmem>>, %arg8: memref<100x100xi32, #tpu.memory_space<vmem>>, %arg9: memref<100x128xf32, #tpu.memory_space<vmem>>, %arg10: memref<10240x128xf32, #tpu.memory_space<vmem_shared>>, %arg11: memref<!tpu.dma_semaphore, #tpu.memory_space<semaphore_mem>>) attributes {dimension_semantics = [#tpu.dimension_semantics<core_parallel>, #tpu.dimension_semantics<subcore_parallel>], iteration_bounds = array<i64: 2, 16>, scalar_prefetch = 0 : i64, scratch_operands = 5 : i64, tpu.core_type = #tpu.core_type<sc_vector_subcore>, window_params = [{transform_indices = #map}, {transform_indices = #map1}, {transform_indices = #map1}, {transform_indices = #map}, {transform_indices = #map1}]} {
    %mul3A = arith.constant 16 : i32
    %mul3A_0 = arith.muli %arg0, %mul3A : i32
    %add3A = arith.addi %mul3A_0, %arg1 : i32
    "tpu.region"() ({
      %run_scoped3A = tpu.sem_alloc : memref<!tpu.dma_semaphore, #tpu.memory_space<semaphore_mem>>
      %dma_start3A = arith.constant 0 : i32
      %dma_start3A_13 = arith.constant 0 : i32
      %dma_start3A_14 = tpu.memref_slice %arg3[%add3A, %dma_start3A, %dma_start3A_13] : memref<32x100x100xi32, #tpu.memory_space<hbm>> -> memref<1x100x100xi32, #tpu.memory_space<hbm>>
      %dma_start3A_15 = tpu.memref_squeeze %dma_start3A_14 : memref<1x100x100xi32, #tpu.memory_space<hbm>> -> memref<100x100xi32, #tpu.memory_space<hbm>>
      %dma_start3A_16 = arith.constant 0 : i32
      %dma_start3A_17 = arith.constant 0 : i32
      %dma_start3A_18 = tpu.memref_slice %arg3[%add3A, %dma_start3A_16, %dma_start3A_17] : memref<32x100x100xi32, #tpu.memory_space<hbm>> -> memref<1x100x100xi32, #tpu.memory_space<hbm>>
      %dma_start3A_19 = tpu.memref_squeeze %dma_start3A_18 : memref<1x100x100xi32, #tpu.memory_space<hbm>> -> memref<100x100xi32, #tpu.memory_space<hbm>>
      tpu.enqueue_dma source(%dma_start3A_19 : memref<100x100xi32, #tpu.memory_space<hbm>>) target(%arg7 : memref<100x100xi32, #tpu.memory_space<vmem>>) target_semaphore(%run_scoped3A : memref<!tpu.dma_semaphore, #tpu.memory_space<semaphore_mem>>)
      %dma_wait3A = arith.constant 0 : i32
      %dma_wait3A_20 = arith.constant 0 : i32
      %dma_wait3A_21 = tpu.memref_slice %arg3[%add3A, %dma_wait3A, %dma_wait3A_20] : memref<32x100x100xi32, #tpu.memory_space<hbm>> -> memref<1x100x100xi32, #tpu.memory_space<hbm>>
      %dma_wait3A_22 = tpu.memref_squeeze %dma_wait3A_21 : memref<1x100x100xi32, #tpu.memory_space<hbm>> -> memref<100x100xi32, #tpu.memory_space<hbm>>
      %dma_wait3A_23 = arith.constant 0 : i32
      %dma_wait3A_24 = arith.constant 0 : i32
      %dma_wait3A_25 = tpu.memref_slice %arg3[%add3A, %dma_wait3A_23, %dma_wait3A_24] : memref<32x100x100xi32, #tpu.memory_space<hbm>> -> memref<1x100x100xi32, #tpu.memory_space<hbm>>
      %dma_wait3A_26 = tpu.memref_squeeze %dma_wait3A_25 : memref<1x100x100xi32, #tpu.memory_space<hbm>> -> memref<100x100xi32, #tpu.memory_space<hbm>>
      tpu.wait_dma2 semaphore(%run_scoped3A : memref<!tpu.dma_semaphore, #tpu.memory_space<semaphore_mem>>) src(%dma_wait3A_26 : memref<100x100xi32, #tpu.memory_space<hbm>>) dst(%arg7 : memref<100x100xi32, #tpu.memory_space<vmem>>)
      tpu.yield
    }) : () -> ()
    "tpu.region"() ({
      %run_scoped3A = tpu.sem_alloc : memref<!tpu.dma_semaphore, #tpu.memory_space<semaphore_mem>>
      %dma_start3A = arith.constant 0 : i32
      %dma_start3A_13 = arith.constant 0 : i32
      %dma_start3A_14 = tpu.memref_slice %arg4[%add3A, %dma_start3A, %dma_start3A_13] : memref<32x100x100xi32, #tpu.memory_space<hbm>> -> memref<1x100x100xi32, #tpu.memory_space<hbm>>
      %dma_start3A_15 = tpu.memref_squeeze %dma_start3A_14 : memref<1x100x100xi32, #tpu.memory_space<hbm>> -> memref<100x100xi32, #tpu.memory_space<hbm>>
      %dma_start3A_16 = arith.constant 0 : i32
      %dma_start3A_17 = arith.constant 0 : i32
      %dma_start3A_18 = tpu.memref_slice %arg4[%add3A, %dma_start3A_16, %dma_start3A_17] : memref<32x100x100xi32, #tpu.memory_space<hbm>> -> memref<1x100x100xi32, #tpu.memory_space<hbm>>
      %dma_start3A_19 = tpu.memref_squeeze %dma_start3A_18 : memref<1x100x100xi32, #tpu.memory_space<hbm>> -> memref<100x100xi32, #tpu.memory_space<hbm>>
      tpu.enqueue_dma source(%dma_start3A_19 : memref<100x100xi32, #tpu.memory_space<hbm>>) target(%arg8 : memref<100x100xi32, #tpu.memory_space<vmem>>) target_semaphore(%run_scoped3A : memref<!tpu.dma_semaphore, #tpu.memory_space<semaphore_mem>>)
      %dma_wait3A = arith.constant 0 : i32
      %dma_wait3A_20 = arith.constant 0 : i32
      %dma_wait3A_21 = tpu.memref_slice %arg4[%add3A, %dma_wait3A, %dma_wait3A_20] : memref<32x100x100xi32, #tpu.memory_space<hbm>> -> memref<1x100x100xi32, #tpu.memory_space<hbm>>
      %dma_wait3A_22 = tpu.memref_squeeze %dma_wait3A_21 : memref<1x100x100xi32, #tpu.memory_space<hbm>> -> memref<100x100xi32, #tpu.memory_space<hbm>>
      %dma_wait3A_23 = arith.constant 0 : i32
      %dma_wait3A_24 = arith.constant 0 : i32
      %dma_wait3A_25 = tpu.memref_slice %arg4[%add3A, %dma_wait3A_23, %dma_wait3A_24] : memref<32x100x100xi32, #tpu.memory_space<hbm>> -> memref<1x100x100xi32, #tpu.memory_space<hbm>>
      %dma_wait3A_26 = tpu.memref_squeeze %dma_wait3A_25 : memref<1x100x100xi32, #tpu.memory_space<hbm>> -> memref<100x100xi32, #tpu.memory_space<hbm>>
      tpu.wait_dma2 semaphore(%run_scoped3A : memref<!tpu.dma_semaphore, #tpu.memory_space<semaphore_mem>>) src(%dma_wait3A_26 : memref<100x100xi32, #tpu.memory_space<hbm>>) dst(%arg8 : memref<100x100xi32, #tpu.memory_space<vmem>>)
      tpu.yield
    }) : () -> ()
    %mul3A_1 = arith.constant 640 : i32
    %mul3A_2 = arith.muli %arg1, %mul3A_1 : i32
    "tpu.region"() ({
      %run_scoped3A = tpu.sem_alloc : memref<!tpu.dma_semaphore, #tpu.memory_space<semaphore_mem>>
      %dma_start3A = arith.constant 0 : i32
      %dma_start3A_13 = tpu.memref_slice %arg10[%mul3A_2, %dma_start3A] : memref<10240x128xf32, #tpu.memory_space<vmem_shared>> -> memref<640x128xf32, #tpu.memory_space<vmem_shared>>
      tpu.enqueue_dma source(%arg5 : memref<640x128xf32, #tpu.memory_space<hbm>>) target(%dma_start3A_13 : memref<640x128xf32, #tpu.memory_space<vmem_shared>>) target_semaphore(%run_scoped3A : memref<!tpu.dma_semaphore, #tpu.memory_space<semaphore_mem>>)
      %dma_wait3A = arith.constant 0 : i32
      %dma_wait3A_14 = tpu.memref_slice %arg10[%mul3A_2, %dma_wait3A] : memref<10240x128xf32, #tpu.memory_space<vmem_shared>> -> memref<640x128xf32, #tpu.memory_space<vmem_shared>>
      tpu.wait_dma2 semaphore(%run_scoped3A : memref<!tpu.dma_semaphore, #tpu.memory_space<semaphore_mem>>) src(%arg5 : memref<640x128xf32, #tpu.memory_space<hbm>>) dst(%dma_wait3A_14 : memref<640x128xf32, #tpu.memory_space<vmem_shared>>)
      tpu.yield
    }) : () -> ()
    %barrier3A = arith.constant 0 : index
    tpu.barrier barrier_id(%barrier3A)
    %scan3A = arith.constant 0 : i32
    %scan3A_3 = arith.constant 0 : i32
    %scan3A_4 = arith.constant 100 : i32
    %scan3A_5 = arith.addi %scan3A_3, %scan3A_4 : i32
    %scan3A_6 = arith.constant 1 : i32
    scf.for %scan3A_13 = %scan3A_3 to %scan3A_5 step %scan3A_6  : i32 {
      %dma_start3A = arith.constant 0 : i32
      %dma_start3A_14 = tpu.memref_slice %arg7[%scan3A_13, %dma_start3A] : memref<100x100xi32, #tpu.memory_space<vmem>> -> memref<1x100xi32, #tpu.memory_space<vmem>>
      %dma_start3A_15 = tpu.memref_squeeze %dma_start3A_14 : memref<1x100xi32, #tpu.memory_space<vmem>> -> memref<100xi32, #tpu.memory_space<vmem>>
      %dma_start3A_16 = arith.constant 0 : i32
      %dma_start3A_17 = arith.constant 0 : i32
      %dma_start3A_18 = tpu.memref_slice %arg2[%dma_start3A_16, %dma_start3A_17] : memref<10000x128xf32, #tpu.memory_space<hbm>> -> memref<10000x128xf32, #tpu.memory_space<hbm>>
      tpu.enqueue_indirect_dma source(%dma_start3A_18 : memref<10000x128xf32, #tpu.memory_space<hbm>>) target(%arg9 : memref<100x128xf32, #tpu.memory_space<vmem>>) offsets(%dma_start3A_15 : memref<100xi32, #tpu.memory_space<vmem>>) semaphore(%arg11 : memref<!tpu.dma_semaphore, #tpu.memory_space<semaphore_mem>>)
      %dma_wait3A = arith.constant 0 : i32
      %dma_wait3A_19 = tpu.memref_slice %arg7[%scan3A_13, %dma_wait3A] : memref<100x100xi32, #tpu.memory_space<vmem>> -> memref<1x100xi32, #tpu.memory_space<vmem>>
      %dma_wait3A_20 = tpu.memref_squeeze %dma_wait3A_19 : memref<1x100xi32, #tpu.memory_space<vmem>> -> memref<100xi32, #tpu.memory_space<vmem>>
      %dma_wait3A_21 = arith.constant 0 : i32
      %dma_wait3A_22 = arith.constant 0 : i32
      %dma_wait3A_23 = tpu.memref_slice %arg2[%dma_wait3A_21, %dma_wait3A_22] : memref<10000x128xf32, #tpu.memory_space<hbm>> -> memref<10000x128xf32, #tpu.memory_space<hbm>>
      tpu.wait_indirect_dma semaphore(%arg11 : memref<!tpu.dma_semaphore, #tpu.memory_space<semaphore_mem>>) src(%dma_wait3A_23 : memref<10000x128xf32, #tpu.memory_space<hbm>>) dst(%arg9 : memref<100x128xf32, #tpu.memory_space<vmem>>)
      "tpu.region"() ({
        %run_scoped3A = tpu.sem_alloc : memref<!tpu.dma_semaphore, #tpu.memory_space<semaphore_mem>>
        %dma_start3A_24 = arith.constant 0 : i32
        %dma_start3A_25 = tpu.memref_slice %arg8[%scan3A_13, %dma_start3A_24] : memref<100x100xi32, #tpu.memory_space<vmem>> -> memref<1x100xi32, #tpu.memory_space<vmem>>
        %dma_start3A_26 = tpu.memref_squeeze %dma_start3A_25 : memref<1x100xi32, #tpu.memory_space<vmem>> -> memref<100xi32, #tpu.memory_space<vmem>>
        %dma_start3A_27 = arith.constant 0 : i32
        %dma_start3A_28 = arith.constant 0 : i32
        %dma_start3A_29 = tpu.memref_slice %arg10[%dma_start3A_27, %dma_start3A_28] : memref<10240x128xf32, #tpu.memory_space<vmem_shared>> -> memref<10240x128xf32, #tpu.memory_space<vmem_shared>>
        tpu.enqueue_indirect_dma source(%arg9 : memref<100x128xf32, #tpu.memory_space<vmem>>) target(%dma_start3A_29 : memref<10240x128xf32, #tpu.memory_space<vmem_shared>>) offsets(%dma_start3A_26 : memref<100xi32, #tpu.memory_space<vmem>>) semaphore(%run_scoped3A : memref<!tpu.dma_semaphore, #tpu.memory_space<semaphore_mem>>) {add = true}
        %dma_wait3A_30 = arith.constant 0 : i32
        %dma_wait3A_31 = tpu.memref_slice %arg8[%scan3A_13, %dma_wait3A_30] : memref<100x100xi32, #tpu.memory_space<vmem>> -> memref<1x100xi32, #tpu.memory_space<vmem>>
        %dma_wait3A_32 = tpu.memref_squeeze %dma_wait3A_31 : memref<1x100xi32, #tpu.memory_space<vmem>> -> memref<100xi32, #tpu.memory_space<vmem>>
        %dma_wait3A_33 = arith.constant 0 : i32
        %dma_wait3A_34 = arith.constant 0 : i32
        %dma_wait3A_35 = tpu.memref_slice %arg10[%dma_wait3A_33, %dma_wait3A_34] : memref<10240x128xf32, #tpu.memory_space<vmem_shared>> -> memref<10240x128xf32, #tpu.memory_space<vmem_shared>>
        tpu.wait_indirect_dma semaphore(%run_scoped3A : memref<!tpu.dma_semaphore, #tpu.memory_space<semaphore_mem>>) src(%arg9 : memref<100x128xf32, #tpu.memory_space<vmem>>) dst(%dma_wait3A_35 : memref<10240x128xf32, #tpu.memory_space<vmem_shared>>)
        tpu.yield
      }) : () -> ()
    }
    %scan3A_7 = arith.constant 100 : i32
    %barrier3A_8 = arith.constant 0 : index
    tpu.barrier barrier_id(%barrier3A_8)
    %mul3A_9 = arith.constant 640 : i32
    %mul3A_10 = arith.muli %arg1, %mul3A_9 : i32
    %mul3A_11 = arith.constant 640 : i32
    %mul3A_12 = arith.muli %arg1, %mul3A_11 : i32
    "tpu.region"() ({
      %run_scoped3A = tpu.sem_alloc : memref<!tpu.dma_semaphore, #tpu.memory_space<semaphore_mem>>
      %dma_start3A = arith.constant 0 : i32
      %dma_start3A_13 = arith.constant 0 : i32
      %dma_start3A_14 = tpu.memref_slice %arg6[%arg0, %dma_start3A, %dma_start3A_13] : memref<2x10240x128xf32, #tpu.memory_space<hbm>> -> memref<1x10240x128xf32, #tpu.memory_space<hbm>>
      %dma_start3A_15 = tpu.memref_squeeze %dma_start3A_14 : memref<1x10240x128xf32, #tpu.memory_space<hbm>> -> memref<10240x128xf32, #tpu.memory_space<hbm>>
      %dma_start3A_16 = arith.constant 0 : i32
      %dma_start3A_17 = tpu.memref_slice %dma_start3A_15[%mul3A_12, %dma_start3A_16] : memref<10240x128xf32, #tpu.memory_space<hbm>> -> memref<640x128xf32, #tpu.memory_space<hbm>>
      %dma_start3A_18 = arith.constant 0 : i32
      %dma_start3A_19 = tpu.memref_slice %arg10[%mul3A_10, %dma_start3A_18] : memref<10240x128xf32, #tpu.memory_space<vmem_shared>> -> memref<640x128xf32, #tpu.memory_space<vmem_shared>>
      tpu.enqueue_dma source(%dma_start3A_19 : memref<640x128xf32, #tpu.memory_space<vmem_shared>>) target(%dma_start3A_17 : memref<640x128xf32, #tpu.memory_space<hbm>>) target_semaphore(%run_scoped3A : memref<!tpu.dma_semaphore, #tpu.memory_space<semaphore_mem>>)
      %dma_wait3A = arith.constant 0 : i32
      %dma_wait3A_20 = arith.constant 0 : i32
      %dma_wait3A_21 = tpu.memref_slice %arg6[%arg0, %dma_wait3A, %dma_wait3A_20] : memref<2x10240x128xf32, #tpu.memory_space<hbm>> -> memref<1x10240x128xf32, #tpu.memory_space<hbm>>
      %dma_wait3A_22 = tpu.memref_squeeze %dma_wait3A_21 : memref<1x10240x128xf32, #tpu.memory_space<hbm>> -> memref<10240x128xf32, #tpu.memory_space<hbm>>
      %dma_wait3A_23 = arith.constant 0 : i32
      %dma_wait3A_24 = tpu.memref_slice %dma_wait3A_22[%mul3A_12, %dma_wait3A_23] : memref<10240x128xf32, #tpu.memory_space<hbm>> -> memref<640x128xf32, #tpu.memory_space<hbm>>
      %dma_wait3A_25 = arith.constant 0 : i32
      %dma_wait3A_26 = tpu.memref_slice %arg10[%mul3A_10, %dma_wait3A_25] : memref<10240x128xf32, #tpu.memory_space<vmem_shared>> -> memref<640x128xf32, #tpu.memory_space<vmem_shared>>
      tpu.wait_dma2 semaphore(%run_scoped3A : memref<!tpu.dma_semaphore, #tpu.memory_space<semaphore_mem>>) src(%dma_wait3A_26 : memref<640x128xf32, #tpu.memory_space<vmem_shared>>) dst(%dma_wait3A_24 : memref<640x128xf32, #tpu.memory_space<hbm>>)
      tpu.yield
    }) : () -> ()
    return
  }
}

module attributes {stable_mosaic.version = 14 : i64} {
  func.func @body(%arg0: memref<10000x128xf32, #tpu.memory_space<vmem>>, %arg1: memref<2x10240x128xf32, #tpu.memory_space<vmem>>, %arg2: memref<1x1xf32, #tpu.memory_space<vmem>>, %arg3: memref<128x128xf32, #tpu.memory_space<vmem>>, %arg4: memref<1x128xf32, #tpu.memory_space<vmem>>, %arg5: memref<1x128xf32, #tpu.memory_space<vmem>>, %arg6: memref<1x128xf32, #tpu.memory_space<vmem>>, %arg7: memref<128x128xf32, #tpu.memory_space<vmem>>, %arg8: memref<1x128xf32, #tpu.memory_space<vmem>>, %arg9: memref<1x128xf32, #tpu.memory_space<vmem>>, %arg10: memref<1x128xf32, #tpu.memory_space<vmem>>, %arg11: memref<10000x128xf32, #tpu.memory_space<vmem>>) attributes {dimension_semantics = [], scalar_prefetch = 0 : i64, scratch_operands = 0 : i64, tpu.core_type = #tpu.core_type<tc>} {
    %get3A = arith.constant 0 : index
    %get3A_0 = arith.constant 0 : index
    %get3A_1 = vector.load %arg2[%get3A, %get3A_0] : memref<1x1xf32, #tpu.memory_space<vmem>>, vector<1x1xf32>
    %get3A_2 = arith.constant 0 : index
    %get3A_3 = arith.constant 0 : index
    %get3A_4 = vector.load %arg0[%get3A_2, %get3A_3] : memref<10000x128xf32, #tpu.memory_space<vmem>>, vector<10000x128xf32>
    %mul3A = vector.broadcast %get3A_1 : vector<1x1xf32> to vector<10000x128xf32>
    %mul3A_5 = arith.mulf %mul3A, %get3A_4 : vector<10000x128xf32>
    %get3A_6 = arith.constant 0 : index
    %get3A_7 = arith.constant 0 : index
    %get3A_8 = arith.constant 0 : index
    %get3A_9 = vector.load %arg1[%get3A_6, %get3A_7, %get3A_8] : memref<2x10240x128xf32, #tpu.memory_space<vmem>>, vector<1x10000x128xf32>
    %get3A_10 = vector.shape_cast %get3A_9 : vector<1x10000x128xf32> to vector<10000x128xf32>
    %get3A_11 = arith.constant 1 : index
    %get3A_12 = arith.constant 0 : index
    %get3A_13 = arith.constant 0 : index
    %get3A_14 = vector.load %arg1[%get3A_11, %get3A_12, %get3A_13] : memref<2x10240x128xf32, #tpu.memory_space<vmem>>, vector<1x10000x128xf32>
    %get3A_15 = vector.shape_cast %get3A_14 : vector<1x10000x128xf32> to vector<10000x128xf32>
    %add3A = arith.addf %get3A_10, %get3A_15 : vector<10000x128xf32>
    %add3A_16 = arith.addf %mul3A_5, %add3A : vector<10000x128xf32>
    %get3A_17 = arith.constant 0 : index
    %get3A_18 = arith.constant 0 : index
    %get3A_19 = vector.load %arg3[%get3A_17, %get3A_18] : memref<128x128xf32, #tpu.memory_space<vmem>>, vector<128x128xf32>
    %dot_general3A = arith.constant dense<0.000000e+00> : vector<10000x128xf32>
    %dot_general3A_20 = tpu.matmul %add3A_16, %get3A_19, %dot_general3A {dimension_numbers = #tpu.dot_dimension_numbers<[1], [0], [0], [1], [0, 0, 1, 1], [], []>, transpose_lhs_hint = false} : vector<10000x128xf32>, vector<128x128xf32>, vector<10000x128xf32> -> vector<10000x128xf32>
    %get3A_21 = arith.constant 0 : index
    %get3A_22 = arith.constant 0 : index
    %get3A_23 = vector.load %arg4[%get3A_21, %get3A_22] : memref<1x128xf32, #tpu.memory_space<vmem>>, vector<1x128xf32>
    %add3A_24 = vector.broadcast %get3A_23 : vector<1x128xf32> to vector<10000x128xf32>
    %add3A_25 = arith.addf %dot_general3A_20, %add3A_24 : vector<10000x128xf32>
    %reduce_sum3A = arith.constant dense<0.000000e+00> : vector<128xf32>
    %reduce_sum3A_26 = vector.multi_reduction <add>, %add3A_25, %reduce_sum3A [0] : vector<10000x128xf32> to vector<128xf32>
    %broadcast_in_dim3A = vector.shape_cast %reduce_sum3A_26 : vector<128xf32> to vector<1x128xf32>
    %div3A = arith.constant 1.000000e+04 : f32
    %div3A_27 = vector.broadcast %div3A : f32 to vector<1x128xf32>
    %div3A_28 = arith.divf %broadcast_in_dim3A, %div3A_27 : vector<1x128xf32>
    %sub3A = vector.broadcast %div3A_28 : vector<1x128xf32> to vector<10000x128xf32>
    %sub3A_29 = arith.subf %add3A_25, %sub3A : vector<10000x128xf32>
    %integer_pow3A = arith.mulf %sub3A_29, %sub3A_29 : vector<10000x128xf32>
    %reduce_sum3A_30 = arith.constant dense<0.000000e+00> : vector<128xf32>
    %reduce_sum3A_31 = vector.multi_reduction <add>, %integer_pow3A, %reduce_sum3A_30 [0] : vector<10000x128xf32> to vector<128xf32>
    %broadcast_in_dim3A_32 = vector.shape_cast %reduce_sum3A_31 : vector<128xf32> to vector<1x128xf32>
    %div3A_33 = arith.constant 1.000000e+04 : f32
    %div3A_34 = vector.broadcast %div3A_33 : f32 to vector<1x128xf32>
    %div3A_35 = arith.divf %broadcast_in_dim3A_32, %div3A_34 : vector<1x128xf32>
    %sub3A_36 = vector.broadcast %div3A_28 : vector<1x128xf32> to vector<10000x128xf32>
    %sub3A_37 = arith.subf %add3A_25, %sub3A_36 : vector<10000x128xf32>
    %add3A_38 = arith.constant 9.99999974E-6 : f32
    %add3A_39 = vector.broadcast %add3A_38 : f32 to vector<1x128xf32>
    %add3A_40 = arith.addf %div3A_35, %add3A_39 : vector<1x128xf32>
    %sqrt3A = math.sqrt %add3A_40 : vector<1x128xf32>
    %div3A_41 = vector.broadcast %sqrt3A : vector<1x128xf32> to vector<10000x128xf32>
    %div3A_42 = arith.divf %sub3A_37, %div3A_41 : vector<10000x128xf32>
    %get3A_43 = arith.constant 0 : index
    %get3A_44 = arith.constant 0 : index
    %get3A_45 = vector.load %arg5[%get3A_43, %get3A_44] : memref<1x128xf32, #tpu.memory_space<vmem>>, vector<1x128xf32>
    %mul3A_46 = vector.broadcast %get3A_45 : vector<1x128xf32> to vector<10000x128xf32>
    %mul3A_47 = arith.mulf %div3A_42, %mul3A_46 : vector<10000x128xf32>
    %get3A_48 = arith.constant 0 : index
    %get3A_49 = arith.constant 0 : index
    %get3A_50 = vector.load %arg6[%get3A_48, %get3A_49] : memref<1x128xf32, #tpu.memory_space<vmem>>, vector<1x128xf32>
    %add3A_51 = vector.broadcast %get3A_50 : vector<1x128xf32> to vector<10000x128xf32>
    %add3A_52 = arith.addf %mul3A_47, %add3A_51 : vector<10000x128xf32>
    %max3A = arith.constant 0.000000e+00 : f32
    %max3A_53 = vector.broadcast %max3A : f32 to vector<10000x128xf32>
    %max3A_54 = arith.maximumf %add3A_52, %max3A_53 : vector<10000x128xf32>
    %get3A_55 = arith.constant 0 : index
    %get3A_56 = arith.constant 0 : index
    %get3A_57 = vector.load %arg7[%get3A_55, %get3A_56] : memref<128x128xf32, #tpu.memory_space<vmem>>, vector<128x128xf32>
    %dot_general3A_58 = arith.constant dense<0.000000e+00> : vector<10000x128xf32>
    %dot_general3A_59 = tpu.matmul %max3A_54, %get3A_57, %dot_general3A_58 {dimension_numbers = #tpu.dot_dimension_numbers<[1], [0], [0], [1], [0, 0, 1, 1], [], []>, transpose_lhs_hint = false} : vector<10000x128xf32>, vector<128x128xf32>, vector<10000x128xf32> -> vector<10000x128xf32>
    %get3A_60 = arith.constant 0 : index
    %get3A_61 = arith.constant 0 : index
    %get3A_62 = vector.load %arg8[%get3A_60, %get3A_61] : memref<1x128xf32, #tpu.memory_space<vmem>>, vector<1x128xf32>
    %add3A_63 = vector.broadcast %get3A_62 : vector<1x128xf32> to vector<10000x128xf32>
    %add3A_64 = arith.addf %dot_general3A_59, %add3A_63 : vector<10000x128xf32>
    %reduce_sum3A_65 = arith.constant dense<0.000000e+00> : vector<128xf32>
    %reduce_sum3A_66 = vector.multi_reduction <add>, %add3A_64, %reduce_sum3A_65 [0] : vector<10000x128xf32> to vector<128xf32>
    %broadcast_in_dim3A_67 = vector.shape_cast %reduce_sum3A_66 : vector<128xf32> to vector<1x128xf32>
    %div3A_68 = arith.constant 1.000000e+04 : f32
    %div3A_69 = vector.broadcast %div3A_68 : f32 to vector<1x128xf32>
    %div3A_70 = arith.divf %broadcast_in_dim3A_67, %div3A_69 : vector<1x128xf32>
    %sub3A_71 = vector.broadcast %div3A_70 : vector<1x128xf32> to vector<10000x128xf32>
    %sub3A_72 = arith.subf %add3A_64, %sub3A_71 : vector<10000x128xf32>
    %integer_pow3A_73 = arith.mulf %sub3A_72, %sub3A_72 : vector<10000x128xf32>
    %reduce_sum3A_74 = arith.constant dense<0.000000e+00> : vector<128xf32>
    %reduce_sum3A_75 = vector.multi_reduction <add>, %integer_pow3A_73, %reduce_sum3A_74 [0] : vector<10000x128xf32> to vector<128xf32>
    %broadcast_in_dim3A_76 = vector.shape_cast %reduce_sum3A_75 : vector<128xf32> to vector<1x128xf32>
    %div3A_77 = arith.constant 1.000000e+04 : f32
    %div3A_78 = vector.broadcast %div3A_77 : f32 to vector<1x128xf32>
    %div3A_79 = arith.divf %broadcast_in_dim3A_76, %div3A_78 : vector<1x128xf32>
    %sub3A_80 = vector.broadcast %div3A_70 : vector<1x128xf32> to vector<10000x128xf32>
    %sub3A_81 = arith.subf %add3A_64, %sub3A_80 : vector<10000x128xf32>
    %add3A_82 = arith.constant 9.99999974E-6 : f32
    %add3A_83 = vector.broadcast %add3A_82 : f32 to vector<1x128xf32>
    %add3A_84 = arith.addf %div3A_79, %add3A_83 : vector<1x128xf32>
    %sqrt3A_85 = math.sqrt %add3A_84 : vector<1x128xf32>
    %div3A_86 = vector.broadcast %sqrt3A_85 : vector<1x128xf32> to vector<10000x128xf32>
    %div3A_87 = arith.divf %sub3A_81, %div3A_86 : vector<10000x128xf32>
    %get3A_88 = arith.constant 0 : index
    %get3A_89 = arith.constant 0 : index
    %get3A_90 = vector.load %arg9[%get3A_88, %get3A_89] : memref<1x128xf32, #tpu.memory_space<vmem>>, vector<1x128xf32>
    %mul3A_91 = vector.broadcast %get3A_90 : vector<1x128xf32> to vector<10000x128xf32>
    %mul3A_92 = arith.mulf %div3A_87, %mul3A_91 : vector<10000x128xf32>
    %get3A_93 = arith.constant 0 : index
    %get3A_94 = arith.constant 0 : index
    %get3A_95 = vector.load %arg10[%get3A_93, %get3A_94] : memref<1x128xf32, #tpu.memory_space<vmem>>, vector<1x128xf32>
    %add3A_96 = vector.broadcast %get3A_95 : vector<1x128xf32> to vector<10000x128xf32>
    %add3A_97 = arith.addf %mul3A_92, %add3A_96 : vector<10000x128xf32>
    %max3A_98 = arith.constant 0.000000e+00 : f32
    %max3A_99 = vector.broadcast %max3A_98 : f32 to vector<10000x128xf32>
    %max3A_100 = arith.maximumf %add3A_97, %max3A_99 : vector<10000x128xf32>
    %swap3A = arith.constant 0 : index
    %swap3A_101 = arith.constant 0 : index
    %swap3A_102 = vector.load %arg11[%swap3A, %swap3A_101] : memref<10000x128xf32, #tpu.memory_space<vmem>>, vector<10000x128xf32>
    tpu.vector_store %arg11[%swap3A, %swap3A_101], %max3A_100 {strides = array<i32>} : memref<10000x128xf32, #tpu.memory_space<vmem>>, vector<10000x128xf32>,
    return
  }
}

module attributes {stable_mosaic.version = 14 : i64} {
  func.func @body(%arg0: memref<10000x128xf32, #tpu.memory_space<vmem>>, %arg1: memref<2x10240x128xf32, #tpu.memory_space<vmem>>, %arg2: memref<1x1xf32, #tpu.memory_space<vmem>>, %arg3: memref<128x128xf32, #tpu.memory_space<vmem>>, %arg4: memref<1x128xf32, #tpu.memory_space<vmem>>, %arg5: memref<1x128xf32, #tpu.memory_space<vmem>>, %arg6: memref<1x128xf32, #tpu.memory_space<vmem>>, %arg7: memref<128x128xf32, #tpu.memory_space<vmem>>, %arg8: memref<1x128xf32, #tpu.memory_space<vmem>>, %arg9: memref<1x128xf32, #tpu.memory_space<vmem>>, %arg10: memref<1x128xf32, #tpu.memory_space<vmem>>, %arg11: memref<10000x128xf32, #tpu.memory_space<vmem>>) attributes {dimension_semantics = [], scalar_prefetch = 0 : i64, scratch_operands = 0 : i64, tpu.core_type = #tpu.core_type<tc>} {
    %get3A = arith.constant 0 : index
    %get3A_0 = arith.constant 0 : index
    %get3A_1 = vector.load %arg2[%get3A, %get3A_0] : memref<1x1xf32, #tpu.memory_space<vmem>>, vector<1x1xf32>
    %get3A_2 = arith.constant 0 : index
    %get3A_3 = arith.constant 0 : index
    %get3A_4 = vector.load %arg0[%get3A_2, %get3A_3] : memref<10000x128xf32, #tpu.memory_space<vmem>>, vector<10000x128xf32>
    %mul3A = vector.broadcast %get3A_1 : vector<1x1xf32> to vector<10000x128xf32>
    %mul3A_5 = arith.mulf %mul3A, %get3A_4 : vector<10000x128xf32>
    %get3A_6 = arith.constant 0 : index
    %get3A_7 = arith.constant 0 : index
    %get3A_8 = arith.constant 0 : index
    %get3A_9 = vector.load %arg1[%get3A_6, %get3A_7, %get3A_8] : memref<2x10240x128xf32, #tpu.memory_space<vmem>>, vector<1x10000x128xf32>
    %get3A_10 = vector.shape_cast %get3A_9 : vector<1x10000x128xf32> to vector<10000x128xf32>
    %get3A_11 = arith.constant 1 : index
    %get3A_12 = arith.constant 0 : index
    %get3A_13 = arith.constant 0 : index
    %get3A_14 = vector.load %arg1[%get3A_11, %get3A_12, %get3A_13] : memref<2x10240x128xf32, #tpu.memory_space<vmem>>, vector<1x10000x128xf32>
    %get3A_15 = vector.shape_cast %get3A_14 : vector<1x10000x128xf32> to vector<10000x128xf32>
    %add3A = arith.addf %get3A_10, %get3A_15 : vector<10000x128xf32>
    %add3A_16 = arith.addf %mul3A_5, %add3A : vector<10000x128xf32>
    %get3A_17 = arith.constant 0 : index
    %get3A_18 = arith.constant 0 : index
    %get3A_19 = vector.load %arg3[%get3A_17, %get3A_18] : memref<128x128xf32, #tpu.memory_space<vmem>>, vector<128x128xf32>
    %dot_general3A = arith.constant dense<0.000000e+00> : vector<10000x128xf32>
    %dot_general3A_20 = tpu.matmul %add3A_16, %get3A_19, %dot_general3A {dimension_numbers = #tpu.dot_dimension_numbers<[1], [0], [0], [1], [0, 0, 1, 1], [], []>, transpose_lhs_hint = false} : vector<10000x128xf32>, vector<128x128xf32>, vector<10000x128xf32> -> vector<10000x128xf32>
    %get3A_21 = arith.constant 0 : index
    %get3A_22 = arith.constant 0 : index
    %get3A_23 = vector.load %arg4[%get3A_21, %get3A_22] : memref<1x128xf32, #tpu.memory_space<vmem>>, vector<1x128xf32>
    %add3A_24 = vector.broadcast %get3A_23 : vector<1x128xf32> to vector<10000x128xf32>
    %add3A_25 = arith.addf %dot_general3A_20, %add3A_24 : vector<10000x128xf32>
    %reduce_sum3A = arith.constant dense<0.000000e+00> : vector<128xf32>
    %reduce_sum3A_26 = vector.multi_reduction <add>, %add3A_25, %reduce_sum3A [0] : vector<10000x128xf32> to vector<128xf32>
    %broadcast_in_dim3A = vector.shape_cast %reduce_sum3A_26 : vector<128xf32> to vector<1x128xf32>
    %div3A = arith.constant 1.000000e+04 : f32
    %div3A_27 = vector.broadcast %div3A : f32 to vector<1x128xf32>
    %div3A_28 = arith.divf %broadcast_in_dim3A, %div3A_27 : vector<1x128xf32>
    %sub3A = vector.broadcast %div3A_28 : vector<1x128xf32> to vector<10000x128xf32>
    %sub3A_29 = arith.subf %add3A_25, %sub3A : vector<10000x128xf32>
    %integer_pow3A = arith.mulf %sub3A_29, %sub3A_29 : vector<10000x128xf32>
    %reduce_sum3A_30 = arith.constant dense<0.000000e+00> : vector<128xf32>
    %reduce_sum3A_31 = vector.multi_reduction <add>, %integer_pow3A, %reduce_sum3A_30 [0] : vector<10000x128xf32> to vector<128xf32>
    %broadcast_in_dim3A_32 = vector.shape_cast %reduce_sum3A_31 : vector<128xf32> to vector<1x128xf32>
    %div3A_33 = arith.constant 1.000000e+04 : f32
    %div3A_34 = vector.broadcast %div3A_33 : f32 to vector<1x128xf32>
    %div3A_35 = arith.divf %broadcast_in_dim3A_32, %div3A_34 : vector<1x128xf32>
    %sub3A_36 = vector.broadcast %div3A_28 : vector<1x128xf32> to vector<10000x128xf32>
    %sub3A_37 = arith.subf %add3A_25, %sub3A_36 : vector<10000x128xf32>
    %add3A_38 = arith.constant 9.99999974E-6 : f32
    %add3A_39 = vector.broadcast %add3A_38 : f32 to vector<1x128xf32>
    %add3A_40 = arith.addf %div3A_35, %add3A_39 : vector<1x128xf32>
    %sqrt3A = math.sqrt %add3A_40 : vector<1x128xf32>
    %div3A_41 = vector.broadcast %sqrt3A : vector<1x128xf32> to vector<10000x128xf32>
    %div3A_42 = arith.divf %sub3A_37, %div3A_41 : vector<10000x128xf32>
    %get3A_43 = arith.constant 0 : index
    %get3A_44 = arith.constant 0 : index
    %get3A_45 = vector.load %arg5[%get3A_43, %get3A_44] : memref<1x128xf32, #tpu.memory_space<vmem>>, vector<1x128xf32>
    %mul3A_46 = vector.broadcast %get3A_45 : vector<1x128xf32> to vector<10000x128xf32>
    %mul3A_47 = arith.mulf %div3A_42, %mul3A_46 : vector<10000x128xf32>
    %get3A_48 = arith.constant 0 : index
    %get3A_49 = arith.constant 0 : index
    %get3A_50 = vector.load %arg6[%get3A_48, %get3A_49] : memref<1x128xf32, #tpu.memory_space<vmem>>, vector<1x128xf32>
    %add3A_51 = vector.broadcast %get3A_50 : vector<1x128xf32> to vector<10000x128xf32>
    %add3A_52 = arith.addf %mul3A_47, %add3A_51 : vector<10000x128xf32>
    %max3A = arith.constant 0.000000e+00 : f32
    %max3A_53 = vector.broadcast %max3A : f32 to vector<10000x128xf32>
    %max3A_54 = arith.maximumf %add3A_52, %max3A_53 : vector<10000x128xf32>
    %get3A_55 = arith.constant 0 : index
    %get3A_56 = arith.constant 0 : index
    %get3A_57 = vector.load %arg7[%get3A_55, %get3A_56] : memref<128x128xf32, #tpu.memory_space<vmem>>, vector<128x128xf32>
    %dot_general3A_58 = arith.constant dense<0.000000e+00> : vector<10000x128xf32>
    %dot_general3A_59 = tpu.matmul %max3A_54, %get3A_57, %dot_general3A_58 {dimension_numbers = #tpu.dot_dimension_numbers<[1], [0], [0], [1], [0, 0, 1, 1], [], []>, transpose_lhs_hint = false} : vector<10000x128xf32>, vector<128x128xf32>, vector<10000x128xf32> -> vector<10000x128xf32>
    %get3A_60 = arith.constant 0 : index
    %get3A_61 = arith.constant 0 : index
    %get3A_62 = vector.load %arg8[%get3A_60, %get3A_61] : memref<1x128xf32, #tpu.memory_space<vmem>>, vector<1x128xf32>
    %add3A_63 = vector.broadcast %get3A_62 : vector<1x128xf32> to vector<10000x128xf32>
    %add3A_64 = arith.addf %dot_general3A_59, %add3A_63 : vector<10000x128xf32>
    %reduce_sum3A_65 = arith.constant dense<0.000000e+00> : vector<128xf32>
    %reduce_sum3A_66 = vector.multi_reduction <add>, %add3A_64, %reduce_sum3A_65 [0] : vector<10000x128xf32> to vector<128xf32>
    %broadcast_in_dim3A_67 = vector.shape_cast %reduce_sum3A_66 : vector<128xf32> to vector<1x128xf32>
    %div3A_68 = arith.constant 1.000000e+04 : f32
    %div3A_69 = vector.broadcast %div3A_68 : f32 to vector<1x128xf32>
    %div3A_70 = arith.divf %broadcast_in_dim3A_67, %div3A_69 : vector<1x128xf32>
    %sub3A_71 = vector.broadcast %div3A_70 : vector<1x128xf32> to vector<10000x128xf32>
    %sub3A_72 = arith.subf %add3A_64, %sub3A_71 : vector<10000x128xf32>
    %integer_pow3A_73 = arith.mulf %sub3A_72, %sub3A_72 : vector<10000x128xf32>
    %reduce_sum3A_74 = arith.constant dense<0.000000e+00> : vector<128xf32>
    %reduce_sum3A_75 = vector.multi_reduction <add>, %integer_pow3A_73, %reduce_sum3A_74 [0] : vector<10000x128xf32> to vector<128xf32>
    %broadcast_in_dim3A_76 = vector.shape_cast %reduce_sum3A_75 : vector<128xf32> to vector<1x128xf32>
    %div3A_77 = arith.constant 1.000000e+04 : f32
    %div3A_78 = vector.broadcast %div3A_77 : f32 to vector<1x128xf32>
    %div3A_79 = arith.divf %broadcast_in_dim3A_76, %div3A_78 : vector<1x128xf32>
    %sub3A_80 = vector.broadcast %div3A_70 : vector<1x128xf32> to vector<10000x128xf32>
    %sub3A_81 = arith.subf %add3A_64, %sub3A_80 : vector<10000x128xf32>
    %add3A_82 = arith.constant 9.99999974E-6 : f32
    %add3A_83 = vector.broadcast %add3A_82 : f32 to vector<1x128xf32>
    %add3A_84 = arith.addf %div3A_79, %add3A_83 : vector<1x128xf32>
    %sqrt3A_85 = math.sqrt %add3A_84 : vector<1x128xf32>
    %div3A_86 = vector.broadcast %sqrt3A_85 : vector<1x128xf32> to vector<10000x128xf32>
    %div3A_87 = arith.divf %sub3A_81, %div3A_86 : vector<10000x128xf32>
    %get3A_88 = arith.constant 0 : index
    %get3A_89 = arith.constant 0 : index
    %get3A_90 = vector.load %arg9[%get3A_88, %get3A_89] : memref<1x128xf32, #tpu.memory_space<vmem>>, vector<1x128xf32>
    %mul3A_91 = vector.broadcast %get3A_90 : vector<1x128xf32> to vector<10000x128xf32>
    %mul3A_92 = arith.mulf %div3A_87, %mul3A_91 : vector<10000x128xf32>
    %get3A_93 = arith.constant 0 : index
    %get3A_94 = arith.constant 0 : index
    %get3A_95 = vector.load %arg10[%get3A_93, %get3A_94] : memref<1x128xf32, #tpu.memory_space<vmem>>, vector<1x128xf32>
    %add3A_96 = vector.broadcast %get3A_95 : vector<1x128xf32> to vector<10000x128xf32>
    %add3A_97 = arith.addf %mul3A_92, %add3A_96 : vector<10000x128xf32>
    %max3A_98 = arith.constant 0.000000e+00 : f32
    %max3A_99 = vector.broadcast %max3A_98 : f32 to vector<10000x128xf32>
    %max3A_100 = arith.maximumf %add3A_97, %max3A_99 : vector<10000x128xf32>
    %swap3A = arith.constant 0 : index
    %swap3A_101 = arith.constant 0 : index
    %swap3A_102 = vector.load %arg11[%swap3A, %swap3A_101] : memref<10000x128xf32, #tpu.memory_space<vmem>>, vector<10000x128xf32>
    tpu.vector_store %arg11[%swap3A, %swap3A_101], %max3A_100 {strides = array<i32>} : memref<10000x128xf32, #tpu.memory_space<vmem>>, vector<10000x128xf32>,
    return
  }
}

</mosaic_0001>

<sc_bundles>
// kernel: kernel.12.cloned.1.call-start
scs
__scs_entry_jumppad:
0x0: {  	(pc) =	sbr.rel $0x88, $3  }
0x1: {  	(tag) =	ssettag $0x0;
	lr =	simm.s32 $0x1  }
0x2: {  	[smem:$0x3F96] =	sst lr;
	_ =	strace $0xD0000000  }
0x3: {  	_ = 	snop  }
0x4: {  	_ = 	snop  }
0x5: {  	_ = 	snop  }
0x6: {  	_ = 	snop  }
0x7: {  	_ = 	snop  }
__scs_overlays_trampoline_lowered:
0x8: {  	[smem:$0x3FA5] =	sst s0  }
0x9: {  	[smem:$0x3FA6] =	sst s1  }
0xa: {  	[smem:$0x3FA7] =	sst s2  }
0xb: {  	[smem:$0x3FA8] =	sst s3  }
0xc: {  	[smem:$0x3FA9] =	sst s4  }
0xd: {  	[smem:$0x3FAA] =	sst s5  }
0xe: {  	[smem:$0x3FAB] =	sst s6  }
0xf: {  	[smem:$0x3FAC] =	sst s7  }
0x10: {  	[smem:$0x3FAD] =	sst s8  }
0x11: {  	[smem:$0x3FAE] =	sst s9;
	s0 =	simm.s32 @!p0 $0x0  }
0x12: {  	s1 =	sld [smem:$0x3F94];
	s0 =	simm.s32 @p0 $0x1  }
0x13: {  	[smem:$0x3FAF] =	sst s0;
	s0 =	simm.s32 @!p1 $0x0  }
0x14: {  	s2 =	sld [smem:$0x3F93];
	s0 =	simm.s32 @p1 $0x1  }
0x15: {  	[smem:$0x3FB0] =	sst s0;
	s0 =	simm.s32 @!p2 $0x0  }
0x16: {  	s3 =	sld [smem:$0x3FDB];
	s0 =	simm.s32 @p2 $0x1  }
0x17: {  	s4 =	simm.s32 $0x1BF5;
	[smem:$0x3FB2] =	sst s0  }
0x18: {  	s0 =	sld [smem:$0x3F95];
	_ =	swait.ge [sflag:s4], $0x0  }
0x19: {  	s7 =	sld [smem:$0x3F96]  }
0x1a: {  	s8 =	sadd.s32 $0xFFFFE003, lr  }
0x1b: {  	s9 =	sadd.s32 $0xFFFFFEF7, lr;
	s5 =	simm.s32 $0xFFFFFFFF;
	p2 =	slt.u32 s8, $0xFFFFF086  }
0x1c: {  	p1 =	slt.u32 s9, $0xF7A;
	s5 =	simm.s32 @!p2 $0x0  }
0x1d: {  	s5 =	simm.s32 @p1 $0x1;
	p0 =	seq.s32 s7, s2  }
0x1e: {  	s7 =	smul.u32 @!p0 $0xF7A, s2;
	p2 =	seq.s32 @!p0 s5, $0x0  }
0x1f: {  	s9 =	smul.u32 $0xF7A, s1;
	s8 =	simm.s32 @!p0 $0x1BF5;
	p2 =	por !p2, p0  }
0x20: {  	[sflag:s8] =	ssyncset.s32 @!p0 $0xFFFFF086;
	s6 =	sadd.s32 @!p0 s3, s7;
	s7 =	simm.s32 @!p0 $0x108  }
0x21: {  	s3 =	sadd.s32 s3, s9;
	s6 =	sadd.s32 @!p0 $0x88, s6;
	s7 =	simm.s32 @p2 $0x1082  }
0x22: {  	[simem:s7], [sflag:s8] =	dma.local @!p0 [hbm:s6], $0xF7A  }
0x23: {  	s9 =	sor.u32 $0xD0000000, s2;
	s6 =	simm.s32 $0x108;
	_ =	swait.ge @!p0 [sflag:s8], $0x0  }
0x24: {  	s3 =	sadd.s32 $0x88, s3;
	s6 =	simm.s32 @!p1 $0x1082;
	[sflag:s4] =	ssyncset.s32 $0xFFFFF086  }
0x25: {  	[simem:s6], [sflag:s4] =	dma.local [hbm:s3], $0xF7A  }
0x26: {  	[smem:$0x3F96] =	sst s1;
	(tag) =	ssettag s2;
	_ =	strace s9  }
0x27: {  	s1 =	sld [smem:$0x3FA6]  }
0x28: {  	s2 =	sld [smem:$0x3FA7]  }
0x29: {  	s4 =	sld [smem:$0x3FA9]  }
0x2a: {  	p0 =	seq.s32 s5, $0x0;
	s5 =	sld [smem:$0x3FAA]  }
0x2b: {  	s6 =	sld [smem:$0x3FAB]  }
0x2c: {  	s7 =	sld [smem:$0x3FAC]  }
0x2d: {  	s3 =	simm.s32 $0x108;
	s8 =	sld [smem:$0x3FAD]  }
0x2e: {  	s3 =	simm.s32 @!p0 $0x1082;
	s9 =	sld [smem:$0x3FAE]  }
0x2f: {  	lr =	sadd.s32 s0, s3;
	s0 =	sld [smem:$0x3FA5]  }
0x30: {  	s3 =	sld [smem:$0x3FA8]  }
0x31: {  	[smem:$0x3FB1] =	sst s10  }
0x32: {  	s10 =	sld [smem:$0x3FAF];
	_ =	sdelay $0x3  }
0x33: {  	p0 =	seq.s32 s10, $0x1;
	s10 =	sld [smem:$0x3FB1];
	_ =	sdelay $0x3  }
0x34: {  	[smem:$0x3FB1] =	sst s10  }
0x35: {  	s10 =	sld [smem:$0x3FB0];
	_ =	sdelay $0x3  }
0x36: {  	p1 =	seq.s32 s10, $0x1;
	s10 =	sld [smem:$0x3FB1];
	_ =	sdelay $0x3  }
0x37: {  	[smem:$0x3FB1] =	sst s10  }
0x38: {  	s10 =	sld [smem:$0x3FB2]  }
0x39: {  	_ = 	snop;
	(pc) =	sbr.ind lr, $3  }
0x3a: {  	_ = 	snop  }
0x3b: {  	_ = 	snop  }
0x3c: {  	p2 =	seq.s32 s10, $0x1;
	s10 =	sld [smem:$0x3FB1]  }
0x3d: {  	_ =	shalt  }
0x3e: {  	_ =	shalt  }
0x3f: {  	_ =	shalt  }
0x40: {  	_ =	shalt  }
0x41: {  	_ =	shalt  }
0x42: {  	_ =	shalt  }
0x43: {  	_ =	shalt  }
0x44: {  	_ =	shalt  }
0x45: {  	_ =	shalt  }
0x46: {  	_ =	shalt  }
0x47: {  	_ =	shalt  }
0x48: {  	_ =	shalt  }
0x49: {  	_ =	shalt  }
0x4a: {  	_ =	shalt  }
0x4b: {  	_ =	shalt  }
0x4c: {  	_ =	shalt  }
0x4d: {  	_ =	shalt  }
0x4e: {  	_ =	shalt  }
0x4f: {  	_ =	shalt  }
0x50: {  	_ =	shalt  }
0x51: {  	_ =	shalt  }
0x52: {  	_ =	shalt  }
0x53: {  	_ =	shalt  }
0x54: {  	_ =	shalt  }
0x55: {  	_ =	shalt  }
0x56: {  	_ =	shalt  }
0x57: {  	_ =	shalt  }
0x58: {  	_ =	shalt  }
0x59: {  	_ =	shalt  }
0x5a: {  	_ =	shalt  }
0x5b: {  	_ =	shalt  }
0x5c: {  	_ =	shalt  }
0x5d: {  	_ =	shalt  }
0x5e: {  	_ =	shalt  }
0x5f: {  	_ =	shalt  }
0x60: {  	_ =	shalt  }
0x61: {  	_ =	shalt  }
0x62: {  	_ =	shalt  }
0x63: {  	_ =	shalt  }
0x64: {  	_ =	shalt  }
0x65: {  	_ =	shalt  }
0x66: {  	_ =	shalt  }
0x67: {  	_ =	shalt  }
0x68: {  	_ =	shalt  }
0x69: {  	_ =	shalt  }
0x6a: {  	_ =	shalt  }
0x6b: {  	_ =	shalt  }
0x6c: {  	_ =	shalt  }
0x6d: {  	_ =	shalt  }
0x6e: {  	_ =	shalt  }
0x6f: {  	_ =	shalt  }
0x70: {  	_ =	shalt  }
0x71: {  	_ =	shalt  }
0x72: {  	_ =	shalt  }
0x73: {  	_ =	shalt  }
0x74: {  	_ =	shalt  }
0x75: {  	_ =	shalt  }
0x76: {  	_ =	shalt  }
0x77: {  	_ =	shalt  }
0x78: {  	_ =	shalt  }
0x79: {  	_ =	shalt  }
0x7a: {  	_ =	shalt  }
0x7b: {  	_ =	shalt  }
0x7c: {  	_ =	shalt  }
0x7d: {  	_ =	shalt  }
0x7e: {  	_ =	shalt  }
0x7f: {  	_ =	shalt  }
0x80: {  	_ =	shalt  }
0x81: {  	_ =	shalt  }
0x82: {  	_ =	shalt  }
0x83: {  	_ =	shalt  }
0x84: {  	_ =	shalt  }
0x85: {  	_ =	shalt  }
0x86: {  	_ =	shalt  }
0x87: {  	_ =	shalt  }
.Lfunc_end0:
.L_simem_size_0:
called_computation_lowered:
.L_overlay_start_0:
0x88: {  	s2 =	sld [smem:$0x3FD9]  }
0x89: {  	s3 =	sld [smem:$0x3FFE];
	_ =	sdelay $0x1  }
0x8a: {  	s1 =	srdreg.scid  }
0x8b: {  	s0 =	sand.u32 $0x1, s1  }
0x8c: {  	s17 =	sshll.u32 s0, $0xA;
	s2 =	sadd.s32 s3, s2  }
0x8d: {  	s2 =	sadd.s32 s2, s17  }
0x8e: {  	[smem:$0x3FBD] =	sst s2  }
0x8f: {  	_ = 	snop  }
0x90: {  	s2 =	sld [smem:$0x3FC9];
	(tm) =	ssettm $0x1  }
0x91: {  	s18 =	sld [smem:$0x3FFB];
	_ =	sdelay $0x3  }
0x92: {  	_ =	strace s18  }
0x93: {  	s3 =	sld [smem:$0x3FFC];
	_ =	sdelay $0x3  }
0x94: {  	_ =	strace s3  }
0x95: {  	s3 =	sld [smem:$0x3FFD];
	_ =	sdelay $0x3  }
0x96: {  	_ =	strace s3  }
0x97: {  	_ =	strace $0x8FFFFFFF  }
0x98: {  	s19 =	sld [smem:$0x3FDB];
	_ =	sdelay $0x1  }
0x99: {  	s4 =	simm.s32 $_scs_section_size  }
0x9a: {  	s5 =	simm.s32 $_size__tile_overlayer_lowered;
	s6 =	simm.s32 $_tile_overlayer_lowered  }
0x9b: {  	s22 =	simm.s32 $0x1BFF;
	s21 =	sshll.u32 s6, $0x1;
	s3 =	sadd.s32 s4, s19  }
0x9c: {  	s7 =	simm.s32 $0x0;
	s20 =	sshll.u32 s5, $0x1;
	s5 =	sadd.s32 s21, s3  }
0x9d: {  	[timem:s7], [sflag:s22] =	dma.local [hbm:s5], s20  }
0x9e: {  	_ =	swait.ge [sflag:s22], s20  }
0x9f: {  	s4 =	ssub.s32 $0x0, s20;
	[sflag:s22] =	ssyncset.done $0x0  }
0xa0: {  	[sflag:s22] =	ssyncadd.s32 s4;
	_ =	sdelay $0x1  }
0xa1: {  	s23 =	simm.s32 $0x1B8B  }
0xa2: {  	_ =	swait.ge [sflag:s23], $0x1  }
0xa3: {  	[sflag:s23] =	ssyncset.done $0x0  }
0xa4: {  	s25 =	simm.s32 $0x1B8E;
	s24 =	sld [smem:$0x3FFE];
	[sflag:s23] =	ssyncadd.s32 $0xFFFFFFFF  }
0xa5: {  	s26 =	simm.s32 $execute0_lowered;
	[smem:$0x3FD2] =	sst s25  }
0xa6: {  	s5 =	sshll.u32 s26, $0x1;
	_ =	strace $0x80000046;
	[dreg:$0x1] =	wrdreg $0xFFFFFFFF  }
0xa7: {  	s28 =	simm.s32 $_size_execute0_lowered;
	s3 =	sadd.s32 s3, s5;
	[dreg:$0x0] =	wrdreg $0x0  }
0xa8: {  	s5 =	sshll.u32 s28, $0x1;
	[dreg:$0x2] =	wrdreg s3  }
0xa9: {  	[dreg:$0x3] =	wrdreg s5  }
0xaa: {  	[dreg:$0x4] =	wrdreg $0xC0  }
0xab: {  	_ =	task [dreg:s7], $0x5FFFF  }
0xac: {  	[dreg:$0x1] =	wrdreg $0xFFFFFFFF  }
0xad: {  	[dreg:$0x0] =	wrdreg $0x60  }
0xae: {  	[dreg:$0x2] =	wrdreg s2  }
0xaf: {  	[dreg:$0x3] =	wrdreg s24  }
0xb0: {  	[dreg:$0x4] =	wrdreg $0x9C000  }
0xb1: {  	[dreg:$0x5] =	wrdreg $0x9  }
0xb2: {  	_ =	task.clear_ibuf [dreg:s7], $0x6FFFF;
	_ =	strace $0x90000046  }
0xb3: {  	s29 =	simm.s32 $0x9;
	_ =	strace $0x80000048  }
0xb4: {  	_ =	swait.ge [sflag:s29], $0x1  }
0xb5: {  	[sflag:s29] =	ssyncadd.s32 $0xFFFFFFFF  }
0xb6: {  	_ =	strace $0x90000048  }
0xb7: {  	_ =	sfence  }
0xb8: {  	s30 =	sld [smem:$0x0];
	_ =	sdelay $0x2  }
0xb9: {  	s31 =	sshll.u32 s1, $0xD;
	s1 =	sshrl.u32 s1, $0x2  }
0xba: {  	s3 =	sand.u32 $0x4000, s31;
	s1 =	sadd.s32 s1, s30  }
0xbb: {  	s0 =	sor.u32 s3, s0;
	s1 =	sshll.u32 s1, $0x11  }
0xbc: {  	s0 =	sor.u32 s1, s0  }
0xbd: {  	s0 =	sadd.s32 $0x8F2B, s0  }
0xbe: {  	[sflag:s0] =	ssyncadd.remote.s32 $0x1  }
0xbf: {  	_ =	sfence.sel $0xFFFF  }
0xc0: {  	[dreg:$0x0] =	wrdreg $0xFFFFFFFF;
	(pc) =	sbr.abs _section_cstart, $3  }
0xc1: {  	[dreg:$0x1] =	wrdreg $0xFFFFFFFF  }
0xc2: {  	_ =	task.clear_ibuf [dreg:s7], $0x2FFFF;
	_ =	strace $0x9FFFFFFF  }
0xc3: {  	(tm) =	ssettm $0x7FFFFFFF  }
tec
execute0_lowered:
.L_overlay_start_1:
0x0: {  	(tag) =	ssettag $0x1  }
0x1: {  	s0 =	rddreg [dreg:$0x0]  }
0x2: {  	s1 =	srdreg.scid;
	s6 =	rddreg [dreg:$0x1]  }
0x3: {  	s3 =	rddreg [dreg:$0x2];
	s2 =	stileid.u32  }
0x4: {  	s4 =	simm.s32 $0x0;
	s13 =	simm.s32 $0x64;
	s14 =	simm.s32 $0x6800  }
0x5: {  	s5 =	sand.u32 $0x1, s1;
	s1 =	rddreg [dreg:$0x3];
	s10 =	smul.u32 $0x50000, s2  }
0x6: {  	s15 =	simm.s32 $0x1;
	[smem:$0x7FF] =	sst s4;
	s17 =	smul.u32 $0x2800, s2  }
0x7: {  	s11 =	sshll.u32 s2, $0x6;
	s7 =	sshll.u32 s5, $0x4;
	_ =	strace $0x80000047  }
0x8: {  	s8 =	smul.u32 $0x28000, s5;
	s9 =	ssub.s32 $0x2, s5;
	s5 =	sadd.s32 $0x1EA00, s6  }
0x9: {  	s11 =	sor.u32 $0x1C02, s11;
	s7 =	sor.u32 s2, s7;
	s31 =	sshrl.u32 s9, $0x1  }
0xa: {  	s10 =	sshrl.u32 s10, $0x2;
	s7 =	smul.u32 $0x680, s7;
	s8 =	sadd.s32 s8, s6  }
0xb: {  	s9 =	ssub.s32 s9, s31;
	s12 =	sadd.s32 s10, s3;
	s10 =	simm.s32 $0x3400  }
0xc: {  	s16 =	sadd.s32 $0x21200, s8;
	s8 =	smax.u32 s9, $0x1;
	s9 =	simm.s32 $0x2  }
0xd: {  	s12 =	sshrl.u32 s12, $0x3;
	s7 =	sadd.s32 s7, s6;
	s16 =	sadd.s32 s17, s16  }
0xe: {  	s17 =	simm.s32 $0x0;
	s6 =	sadd.s32 $0x11A00, s7;
	s7 =	sadd.s32 $0x4A00, s7  }
.LBB2_1:
0xf: {  	[tilespmem:s4], [sflag:$0x2] =	stream.linear.gather [hbm4b:s6+s4], $0x3200, $0x38;
	[tilespmem:$0x1DC00] =	vst v63  }
0x10: {  	_ =	swait.ge [sflag:s9], $0x3200  }
0x11: {  	[sflag:s9] =	ssyncset.done $0x0  }
0x12: {  	[sflag:s9] =	ssyncadd.s32 $0xFFFFCE00  }
0x13: {  	[tilespmem:s10], [sflag:$0x2] =	stream.linear.gather [hbm4b:s7+s4], $0x3200, $0x38;
	[tilespmem:$0x1DC00] =	vst v63  }
0x14: {  	_ =	swait.ge [sflag:s9], $0x3200  }
0x15: {  	[sflag:s9] =	ssyncset.done $0x0  }
0x16: {  	[sflag:s9] =	ssyncadd.s32 $0xFFFFCE00  }
0x17: {  	[spmem:s12], [sflag:s11] =	dma.local [hbm:s5], $0x2800  }
0x18: {  	_ =	swait.ge [sflag:s9], $0x2800  }
0x19: {  	[sflag:s9] =	ssyncset.done $0x0  }
0x1a: {  	[sflag:s9] =	ssyncadd.s32 $0xFFFFD800  }
0x1b: {  	s18 =	simm.s32 $0x0;
	[bflag:$0x0] =	sbarrier.arrive $0xFFFF  }
0x1c: {  	[tilespmem:s14], [sflag:$0x1] =	stream.indirect.gather [hbm4b:s0+s13], $0x80, s18, s13, $0xb8;
	[tilespmem:$0x1DC00] =	vst v63  }
0x1d: {  	_ =	swait.ge [sflag:s15], $0x3200  }
0x1e: {  	[sflag:s15] =	ssyncset.done $0x0  }
0x1f: {  	s31 =	simm.s32 $0x3400;
	[sflag:s15] =	ssyncadd.s32 $0xFFFFCE00  }
0x20: {  	[spmem:s3] =	stream.indirect.scatter.add.f32 [tilespmem:s14], [sflag:$0x2], $0x80, s31, s13, $0xb8;
	[tilespmem:$0x1DC00] =	vst v63  }
0x21: {  	_ =	swait.ge [sflag:s9], $0x3200  }
0x22: {  	s19 =	simm.s32 $0x400;
	s18 =	simm.s32 $0x200;
	[sflag:s9] =	ssyncset.done $0x0  }
.LBB2_2:
0x23: {  	s20 =	sshra.s32 s18, $0x2  }
0x24: {  	[sflag:s9] =	ssyncadd.s32 $0xFFFFCE00;
	s18 =	smov.u32 s19;
	s21 =	sadd.s32 $0x200, s19  }
0x25: {  	[tilespmem:s14], [sflag:$0x1] =	stream.indirect.gather [hbm4b:s0+s13], $0x80, s20, s13, $0xb8;
	[tilespmem:$0x1DC00] =	vst v63  }
0x26: {  	p0 =	sne.s32 s19, $0xC600;
	_ =	swait.ge [sflag:s15], $0x3200  }
.Ltmp0:
0x27: {  	[sflag:s15] =	ssyncset.done $0x0;
	(pc) =	sbr.rel @p0 .LBB2_2-.Ltmp0, $4  }
0x28: {  	s19 =	sadd.s32 $0x3400, s20;
	[sflag:s15] =	ssyncadd.s32 $0xFFFFCE00  }
0x29: {  	[spmem:s3] =	stream.indirect.scatter.add.f32 [tilespmem:s14], [sflag:$0x2], $0x80, s19, s13, $0xb8;
	[tilespmem:$0x1DC00] =	vst v63  }
0x2a: {  	_ =	swait.ge [sflag:s9], $0x3200  }
0x2b: {  	s19 =	smov.u32 s21;
	[sflag:s9] =	ssyncset.done $0x0  }
0x2c: {  	s18 =	sshra.s32 s18, $0x2;
	[sflag:s9] =	ssyncadd.s32 $0xFFFFCE00  }
0x2d: {  	[tilespmem:s14], [sflag:$0x1] =	stream.indirect.gather [hbm4b:s0+s13], $0x80, s18, s13, $0xb8;
	[tilespmem:$0x1DC00] =	vst v63  }
0x2e: {  	_ =	swait.ge [sflag:s15], $0x3200  }
0x2f: {  	[sflag:s15] =	ssyncset.done $0x0  }
0x30: {  	s18 =	sadd.s32 $0x3400, s18;
	[sflag:s15] =	ssyncadd.s32 $0xFFFFCE00  }
0x31: {  	[spmem:s3] =	stream.indirect.scatter.add.f32 [tilespmem:s14], [sflag:$0x2], $0x80, s18, s13, $0xb8;
	[tilespmem:$0x1DC00] =	vst v63  }
0x32: {  	_ =	swait.ge [sflag:s9], $0x3200  }
0x33: {  	s17 =	sadd.s32 $0x1, s17;
	[sflag:s9] =	ssyncset.done $0x0  }
0x34: {  	p0 =	sne.s32 s17, s8;
	[sflag:s9] =	ssyncadd.s32 $0xFFFFCE00  }
.Ltmp1:
0x35: {  	[bflag:$0x0] =	sbarrier.arrive $0xFFFF;
	(pc) =	sbr.rel @p0 .LBB2_1-.Ltmp1, $4  }
0x36: {  	[hbm:s16], [sflag:s11] =	dma.local [spmem:s12], $0x2800  }
0x37: {  	_ =	swait.ge [sflag:s9], $0x2800  }
0x38: {  	[sflag:s9] =	ssyncset.done $0x0  }
0x39: {  	[sflag:s9] =	ssyncadd.s32 $0xFFFFD800  }
0x3a: {  	_ =	sfence.sel $0x180000  }
0x3b: {  	[bflag:$0x0] =	sbarrier.arrive $0xFFFF  }
0x3c: {  	p0 =	sne.s32 s2, $0x0;
	_ =	strace $0x90000047  }
0x3d: {  	s0 =	sadd.s32 @!p0 $0x100000, s1;
	[bflag:$0x2] =	sbarrier.arrive $0xFFFF  }
0x3e: {  	[sflag:s0] =	ssyncadd.tile.s32 @!p0 $0x1;
	_ =	shalt  }
.Lfunc_end2:
_tile_overlayer_lowered:
.L_overlay_start_2:
0x3f: {  	(tag) =	ssettag $0x2  }
0x40: {  	s0 =	rddreg [dreg:$0x0];
	s2 =	stileid.u32  }
0x41: {  	s1 =	rddreg [dreg:$0x1];
	p0 =	sne.s32 s2, $0x0  }
0x42: {  	s3 =	rddreg [dreg:$0x2];
	[bflag:$0x3] =	sbarrier.arrive $0xFFFF;
	s2 =	simm.s32 @!p0 $0x1C02  }
0x43: {  	[timem:s3], [sflag:s2] =	dma.local @!p0 [hbm:s0], s1  }
0x44: {  	s0 =	simm.s32 @!p0 $0x2  }
0x45: {  	_ =	swait.ge @!p0 [sflag:s0], s1  }
0x46: {  	s1 =	ssub.s32 @!p0 $0x0, s1;
	[sflag:s0] =	ssyncset.done @!p0 $0x0  }
0x47: {  	[sflag:s0] =	ssyncadd.s32 @!p0 s1  }
0x48: {  	[bflag:$0x3] =	sbarrier.arrive $0xFFFF  }
0x49: {  	_ =	shalt  }

// kernel: kernel.15.cloned.1.call-start
scs
__scs_entry_jumppad:
0x0: {  	(pc) =	sbr.rel $0x88, $3  }
0x1: {  	(tag) =	ssettag $0x0;
	lr =	simm.s32 $0x1  }
0x2: {  	[smem:$0x3F96] =	sst lr;
	_ =	strace $0xD0000000  }
0x3: {  	_ = 	snop  }
0x4: {  	_ = 	snop  }
0x5: {  	_ = 	snop  }
0x6: {  	_ = 	snop  }
0x7: {  	_ = 	snop  }
__scs_overlays_trampoline_lowered:
0x8: {  	[smem:$0x3FA5] =	sst s0  }
0x9: {  	[smem:$0x3FA6] =	sst s1  }
0xa: {  	[smem:$0x3FA7] =	sst s2  }
0xb: {  	[smem:$0x3FA8] =	sst s3  }
0xc: {  	[smem:$0x3FA9] =	sst s4  }
0xd: {  	[smem:$0x3FAA] =	sst s5  }
0xe: {  	[smem:$0x3FAB] =	sst s6  }
0xf: {  	[smem:$0x3FAC] =	sst s7  }
0x10: {  	[smem:$0x3FAD] =	sst s8  }
0x11: {  	[smem:$0x3FAE] =	sst s9;
	s0 =	simm.s32 @!p0 $0x0  }
0x12: {  	s1 =	sld [smem:$0x3F94];
	s0 =	simm.s32 @p0 $0x1  }
0x13: {  	[smem:$0x3FAF] =	sst s0;
	s0 =	simm.s32 @!p1 $0x0  }
0x14: {  	s2 =	sld [smem:$0x3F93];
	s0 =	simm.s32 @p1 $0x1  }
0x15: {  	[smem:$0x3FB0] =	sst s0;
	s0 =	simm.s32 @!p2 $0x0  }
0x16: {  	s3 =	sld [smem:$0x3FDB];
	s0 =	simm.s32 @p2 $0x1  }
0x17: {  	s4 =	simm.s32 $0x1BF5;
	[smem:$0x3FB2] =	sst s0  }
0x18: {  	s0 =	sld [smem:$0x3F95];
	_ =	swait.ge [sflag:s4], $0x0  }
0x19: {  	s7 =	sld [smem:$0x3F96]  }
0x1a: {  	s8 =	sadd.s32 $0xFFFFE003, lr  }
0x1b: {  	s9 =	sadd.s32 $0xFFFFFEF7, lr;
	s5 =	simm.s32 $0xFFFFFFFF;
	p2 =	slt.u32 s8, $0xFFFFF086  }
0x1c: {  	p1 =	slt.u32 s9, $0xF7A;
	s5 =	simm.s32 @!p2 $0x0  }
0x1d: {  	s5 =	simm.s32 @p1 $0x1;
	p0 =	seq.s32 s7, s2  }
0x1e: {  	s7 =	smul.u32 @!p0 $0xF7A, s2;
	p2 =	seq.s32 @!p0 s5, $0x0  }
0x1f: {  	s9 =	smul.u32 $0xF7A, s1;
	s8 =	simm.s32 @!p0 $0x1BF5;
	p2 =	por !p2, p0  }
0x20: {  	[sflag:s8] =	ssyncset.s32 @!p0 $0xFFFFF086;
	s6 =	sadd.s32 @!p0 s3, s7;
	s7 =	simm.s32 @!p0 $0x108  }
0x21: {  	s3 =	sadd.s32 s3, s9;
	s6 =	sadd.s32 @!p0 $0x88, s6;
	s7 =	simm.s32 @p2 $0x1082  }
0x22: {  	[simem:s7], [sflag:s8] =	dma.local @!p0 [hbm:s6], $0xF7A  }
0x23: {  	s9 =	sor.u32 $0xD0000000, s2;
	s6 =	simm.s32 $0x108;
	_ =	swait.ge @!p0 [sflag:s8], $0x0  }
0x24: {  	s3 =	sadd.s32 $0x88, s3;
	s6 =	simm.s32 @!p1 $0x1082;
	[sflag:s4] =	ssyncset.s32 $0xFFFFF086  }
0x25: {  	[simem:s6], [sflag:s4] =	dma.local [hbm:s3], $0xF7A  }
0x26: {  	[smem:$0x3F96] =	sst s1;
	(tag) =	ssettag s2;
	_ =	strace s9  }
0x27: {  	s1 =	sld [smem:$0x3FA6]  }
0x28: {  	s2 =	sld [smem:$0x3FA7]  }
0x29: {  	s4 =	sld [smem:$0x3FA9]  }
0x2a: {  	p0 =	seq.s32 s5, $0x0;
	s5 =	sld [smem:$0x3FAA]  }
0x2b: {  	s6 =	sld [smem:$0x3FAB]  }
0x2c: {  	s7 =	sld [smem:$0x3FAC]  }
0x2d: {  	s3 =	simm.s32 $0x108;
	s8 =	sld [smem:$0x3FAD]  }
0x2e: {  	s3 =	simm.s32 @!p0 $0x1082;
	s9 =	sld [smem:$0x3FAE]  }
0x2f: {  	lr =	sadd.s32 s0, s3;
	s0 =	sld [smem:$0x3FA5]  }
0x30: {  	s3 =	sld [smem:$0x3FA8]  }
0x31: {  	[smem:$0x3FB1] =	sst s10  }
0x32: {  	s10 =	sld [smem:$0x3FAF];
	_ =	sdelay $0x3  }
0x33: {  	p0 =	seq.s32 s10, $0x1;
	s10 =	sld [smem:$0x3FB1];
	_ =	sdelay $0x3  }
0x34: {  	[smem:$0x3FB1] =	sst s10  }
0x35: {  	s10 =	sld [smem:$0x3FB0];
	_ =	sdelay $0x3  }
0x36: {  	p1 =	seq.s32 s10, $0x1;
	s10 =	sld [smem:$0x3FB1];
	_ =	sdelay $0x3  }
0x37: {  	[smem:$0x3FB1] =	sst s10  }
0x38: {  	s10 =	sld [smem:$0x3FB2]  }
0x39: {  	_ = 	snop;
	(pc) =	sbr.ind lr, $3  }
0x3a: {  	_ = 	snop  }
0x3b: {  	_ = 	snop  }
0x3c: {  	p2 =	seq.s32 s10, $0x1;
	s10 =	sld [smem:$0x3FB1]  }
0x3d: {  	_ =	shalt  }
0x3e: {  	_ =	shalt  }
0x3f: {  	_ =	shalt  }
0x40: {  	_ =	shalt  }
0x41: {  	_ =	shalt  }
0x42: {  	_ =	shalt  }
0x43: {  	_ =	shalt  }
0x44: {  	_ =	shalt  }
0x45: {  	_ =	shalt  }
0x46: {  	_ =	shalt  }
0x47: {  	_ =	shalt  }
0x48: {  	_ =	shalt  }
0x49: {  	_ =	shalt  }
0x4a: {  	_ =	shalt  }
0x4b: {  	_ =	shalt  }
0x4c: {  	_ =	shalt  }
0x4d: {  	_ =	shalt  }
0x4e: {  	_ =	shalt  }
0x4f: {  	_ =	shalt  }
0x50: {  	_ =	shalt  }
0x51: {  	_ =	shalt  }
0x52: {  	_ =	shalt  }
0x53: {  	_ =	shalt  }
0x54: {  	_ =	shalt  }
0x55: {  	_ =	shalt  }
0x56: {  	_ =	shalt  }
0x57: {  	_ =	shalt  }
0x58: {  	_ =	shalt  }
0x59: {  	_ =	shalt  }
0x5a: {  	_ =	shalt  }
0x5b: {  	_ =	shalt  }
0x5c: {  	_ =	shalt  }
0x5d: {  	_ =	shalt  }
0x5e: {  	_ =	shalt  }
0x5f: {  	_ =	shalt  }
0x60: {  	_ =	shalt  }
0x61: {  	_ =	shalt  }
0x62: {  	_ =	shalt  }
0x63: {  	_ =	shalt  }
0x64: {  	_ =	shalt  }
0x65: {  	_ =	shalt  }
0x66: {  	_ =	shalt  }
0x67: {  	_ =	shalt  }
0x68: {  	_ =	shalt  }
0x69: {  	_ =	shalt  }
0x6a: {  	_ =	shalt  }
0x6b: {  	_ =	shalt  }
0x6c: {  	_ =	shalt  }
0x6d: {  	_ =	shalt  }
0x6e: {  	_ =	shalt  }
0x6f: {  	_ =	shalt  }
0x70: {  	_ =	shalt  }
0x71: {  	_ =	shalt  }
0x72: {  	_ =	shalt  }
0x73: {  	_ =	shalt  }
0x74: {  	_ =	shalt  }
0x75: {  	_ =	shalt  }
0x76: {  	_ =	shalt  }
0x77: {  	_ =	shalt  }
0x78: {  	_ =	shalt  }
0x79: {  	_ =	shalt  }
0x7a: {  	_ =	shalt  }
0x7b: {  	_ =	shalt  }
0x7c: {  	_ =	shalt  }
0x7d: {  	_ =	shalt  }
0x7e: {  	_ =	shalt  }
0x7f: {  	_ =	shalt  }
0x80: {  	_ =	shalt  }
0x81: {  	_ =	shalt  }
0x82: {  	_ =	shalt  }
0x83: {  	_ =	shalt  }
0x84: {  	_ =	shalt  }
0x85: {  	_ =	shalt  }
0x86: {  	_ =	shalt  }
0x87: {  	_ =	shalt  }
.Lfunc_end0:
.L_simem_size_0:
called_computation.1_lowered:
.L_overlay_start_0:
0x88: {  	s2 =	sld [smem:$0x3FD9]  }
0x89: {  	s3 =	sld [smem:$0x3FFE];
	_ =	sdelay $0x1  }
0x8a: {  	s1 =	srdreg.scid  }
0x8b: {  	s0 =	sand.u32 $0x1, s1  }
0x8c: {  	s17 =	sshll.u32 s0, $0xA;
	s2 =	sadd.s32 s3, s2  }
0x8d: {  	s2 =	sadd.s32 s2, s17  }
0x8e: {  	[smem:$0x3FBD] =	sst s2  }
0x8f: {  	_ = 	snop  }
0x90: {  	s2 =	sld [smem:$0x3FD0];
	(tm) =	ssettm $0x1  }
0x91: {  	s18 =	sld [smem:$0x3FFB];
	_ =	sdelay $0x3  }
0x92: {  	_ =	strace s18  }
0x93: {  	s3 =	sld [smem:$0x3FFC];
	_ =	sdelay $0x3  }
0x94: {  	_ =	strace s3  }
0x95: {  	s3 =	sld [smem:$0x3FFD];
	_ =	sdelay $0x3  }
0x96: {  	_ =	strace s3  }
0x97: {  	_ =	strace $0x8FFFFFFF  }
0x98: {  	s19 =	sld [smem:$0x3FDB];
	_ =	sdelay $0x1  }
0x99: {  	s4 =	simm.s32 $_scs_section_size  }
0x9a: {  	s5 =	simm.s32 $_size__tile_overlayer_lowered;
	s6 =	simm.s32 $_tile_overlayer_lowered  }
0x9b: {  	s22 =	simm.s32 $0x1BFF;
	s21 =	sshll.u32 s6, $0x1;
	s3 =	sadd.s32 s4, s19  }
0x9c: {  	s7 =	simm.s32 $0x0;
	s20 =	sshll.u32 s5, $0x1;
	s5 =	sadd.s32 s21, s3  }
0x9d: {  	[timem:s7], [sflag:s22] =	dma.local [hbm:s5], s20  }
0x9e: {  	_ =	swait.ge [sflag:s22], s20  }
0x9f: {  	s4 =	ssub.s32 $0x0, s20;
	[sflag:s22] =	ssyncset.done $0x0  }
0xa0: {  	[sflag:s22] =	ssyncadd.s32 s4;
	_ =	sdelay $0x1  }
0xa1: {  	s23 =	simm.s32 $0x1B8B  }
0xa2: {  	_ =	swait.ge [sflag:s23], $0x1  }
0xa3: {  	[sflag:s23] =	ssyncset.done $0x0  }
0xa4: {  	s25 =	simm.s32 $0x1B8E;
	s24 =	sld [smem:$0x3FFE];
	[sflag:s23] =	ssyncadd.s32 $0xFFFFFFFF  }
0xa5: {  	s26 =	simm.s32 $execute0_lowered;
	[smem:$0x3FD2] =	sst s25  }
0xa6: {  	s5 =	sshll.u32 s26, $0x1;
	_ =	strace $0x80000049;
	[dreg:$0x1] =	wrdreg $0xFFFFFFFF  }
0xa7: {  	s28 =	simm.s32 $_size_execute0_lowered;
	s3 =	sadd.s32 s3, s5;
	[dreg:$0x0] =	wrdreg $0x0  }
0xa8: {  	s5 =	sshll.u32 s28, $0x1;
	[dreg:$0x2] =	wrdreg s3  }
0xa9: {  	[dreg:$0x3] =	wrdreg s5  }
0xaa: {  	[dreg:$0x4] =	wrdreg $0xC0  }
0xab: {  	_ =	task [dreg:s7], $0x5FFFF  }
0xac: {  	[dreg:$0x1] =	wrdreg $0xFFFFFFFF  }
0xad: {  	[dreg:$0x0] =	wrdreg $0x60  }
0xae: {  	[dreg:$0x2] =	wrdreg s2  }
0xaf: {  	[dreg:$0x3] =	wrdreg s24  }
0xb0: {  	[dreg:$0x4] =	wrdreg $0x9C000  }
0xb1: {  	[dreg:$0x5] =	wrdreg $0x9  }
0xb2: {  	_ =	task.clear_ibuf [dreg:s7], $0x6FFFF;
	_ =	strace $0x90000049  }
0xb3: {  	s29 =	simm.s32 $0x9;
	_ =	strace $0x8000004B  }
0xb4: {  	_ =	swait.ge [sflag:s29], $0x1  }
0xb5: {  	[sflag:s29] =	ssyncadd.s32 $0xFFFFFFFF  }
0xb6: {  	_ =	strace $0x9000004B  }
0xb7: {  	_ =	sfence  }
0xb8: {  	s30 =	sld [smem:$0x0];
	_ =	sdelay $0x2  }
0xb9: {  	s31 =	sshll.u32 s1, $0xD;
	s1 =	sshrl.u32 s1, $0x2  }
0xba: {  	s3 =	sand.u32 $0x4000, s31;
	s1 =	sadd.s32 s1, s30  }
0xbb: {  	s0 =	sor.u32 s3, s0;
	s1 =	sshll.u32 s1, $0x11  }
0xbc: {  	s0 =	sor.u32 s1, s0  }
0xbd: {  	s0 =	sadd.s32 $0x8F2B, s0  }
0xbe: {  	[sflag:s0] =	ssyncadd.remote.s32 $0x1  }
0xbf: {  	_ =	sfence.sel $0xFFFF  }
0xc0: {  	[dreg:$0x0] =	wrdreg $0xFFFFFFFF;
	(pc) =	sbr.abs _section_cstart, $3  }
0xc1: {  	[dreg:$0x1] =	wrdreg $0xFFFFFFFF  }
0xc2: {  	_ =	task.clear_ibuf [dreg:s7], $0x2FFFF;
	_ =	strace $0x9FFFFFFF  }
0xc3: {  	(tm) =	ssettm $0x7FFFFFFF  }
tec
execute0_lowered:
.L_overlay_start_1:
0x0: {  	(tag) =	ssettag $0x1  }
0x1: {  	s0 =	rddreg [dreg:$0x0]  }
0x2: {  	s1 =	srdreg.scid;
	s6 =	rddreg [dreg:$0x1]  }
0x3: {  	s3 =	rddreg [dreg:$0x2];
	s2 =	stileid.u32  }
0x4: {  	s4 =	simm.s32 $0x0;
	s13 =	simm.s32 $0x64;
	s14 =	simm.s32 $0x6800  }
0x5: {  	s5 =	sand.u32 $0x1, s1;
	s1 =	rddreg [dreg:$0x3];
	s10 =	smul.u32 $0x50000, s2  }
0x6: {  	s15 =	simm.s32 $0x1;
	[smem:$0x7FF] =	sst s4;
	s17 =	smul.u32 $0x2800, s2  }
0x7: {  	s11 =	sshll.u32 s2, $0x6;
	s7 =	sshll.u32 s5, $0x4;
	_ =	strace $0x8000004A  }
0x8: {  	s8 =	smul.u32 $0x28000, s5;
	s9 =	ssub.s32 $0x2, s5;
	s5 =	sadd.s32 $0x1EA00, s6  }
0x9: {  	s11 =	sor.u32 $0x1C02, s11;
	s7 =	sor.u32 s2, s7;
	s31 =	sshrl.u32 s9, $0x1  }
0xa: {  	s10 =	sshrl.u32 s10, $0x2;
	s7 =	smul.u32 $0x680, s7;
	s8 =	sadd.s32 s8, s6  }
0xb: {  	s9 =	ssub.s32 s9, s31;
	s12 =	sadd.s32 s10, s3;
	s10 =	simm.s32 $0x3400  }
0xc: {  	s16 =	sadd.s32 $0x21200, s8;
	s8 =	smax.u32 s9, $0x1;
	s9 =	simm.s32 $0x2  }
0xd: {  	s12 =	sshrl.u32 s12, $0x3;
	s7 =	sadd.s32 s7, s6;
	s16 =	sadd.s32 s17, s16  }
0xe: {  	s17 =	simm.s32 $0x0;
	s6 =	sadd.s32 $0x11A00, s7;
	s7 =	sadd.s32 $0x4A00, s7  }
.LBB2_1:
0xf: {  	[tilespmem:s4], [sflag:$0x2] =	stream.linear.gather [hbm4b:s6+s4], $0x3200, $0x38;
	[tilespmem:$0x1DC00] =	vst v63  }
0x10: {  	_ =	swait.ge [sflag:s9], $0x3200  }
0x11: {  	[sflag:s9] =	ssyncset.done $0x0  }
0x12: {  	[sflag:s9] =	ssyncadd.s32 $0xFFFFCE00  }
0x13: {  	[tilespmem:s10], [sflag:$0x2] =	stream.linear.gather [hbm4b:s7+s4], $0x3200, $0x38;
	[tilespmem:$0x1DC00] =	vst v63  }
0x14: {  	_ =	swait.ge [sflag:s9], $0x3200  }
0x15: {  	[sflag:s9] =	ssyncset.done $0x0  }
0x16: {  	[sflag:s9] =	ssyncadd.s32 $0xFFFFCE00  }
0x17: {  	[spmem:s12], [sflag:s11] =	dma.local [hbm:s5], $0x2800  }
0x18: {  	_ =	swait.ge [sflag:s9], $0x2800  }
0x19: {  	[sflag:s9] =	ssyncset.done $0x0  }
0x1a: {  	[sflag:s9] =	ssyncadd.s32 $0xFFFFD800  }
0x1b: {  	s18 =	simm.s32 $0x0;
	[bflag:$0x0] =	sbarrier.arrive $0xFFFF  }
0x1c: {  	[tilespmem:s14], [sflag:$0x1] =	stream.indirect.gather [hbm4b:s0+s13], $0x80, s18, s13, $0xb8;
	[tilespmem:$0x1DC00] =	vst v63  }
0x1d: {  	_ =	swait.ge [sflag:s15], $0x3200  }
0x1e: {  	[sflag:s15] =	ssyncset.done $0x0  }
0x1f: {  	s31 =	simm.s32 $0x3400;
	[sflag:s15] =	ssyncadd.s32 $0xFFFFCE00  }
0x20: {  	[spmem:s3] =	stream.indirect.scatter.add.f32 [tilespmem:s14], [sflag:$0x2], $0x80, s31, s13, $0xb8;
	[tilespmem:$0x1DC00] =	vst v63  }
0x21: {  	_ =	swait.ge [sflag:s9], $0x3200  }
0x22: {  	s19 =	simm.s32 $0x400;
	s18 =	simm.s32 $0x200;
	[sflag:s9] =	ssyncset.done $0x0  }
.LBB2_2:
0x23: {  	s20 =	sshra.s32 s18, $0x2  }
0x24: {  	[sflag:s9] =	ssyncadd.s32 $0xFFFFCE00;
	s18 =	smov.u32 s19;
	s21 =	sadd.s32 $0x200, s19  }
0x25: {  	[tilespmem:s14], [sflag:$0x1] =	stream.indirect.gather [hbm4b:s0+s13], $0x80, s20, s13, $0xb8;
	[tilespmem:$0x1DC00] =	vst v63  }
0x26: {  	p0 =	sne.s32 s19, $0xC600;
	_ =	swait.ge [sflag:s15], $0x3200  }
.Ltmp0:
0x27: {  	[sflag:s15] =	ssyncset.done $0x0;
	(pc) =	sbr.rel @p0 .LBB2_2-.Ltmp0, $4  }
0x28: {  	s19 =	sadd.s32 $0x3400, s20;
	[sflag:s15] =	ssyncadd.s32 $0xFFFFCE00  }
0x29: {  	[spmem:s3] =	stream.indirect.scatter.add.f32 [tilespmem:s14], [sflag:$0x2], $0x80, s19, s13, $0xb8;
	[tilespmem:$0x1DC00] =	vst v63  }
0x2a: {  	_ =	swait.ge [sflag:s9], $0x3200  }
0x2b: {  	s19 =	smov.u32 s21;
	[sflag:s9] =	ssyncset.done $0x0  }
0x2c: {  	s18 =	sshra.s32 s18, $0x2;
	[sflag:s9] =	ssyncadd.s32 $0xFFFFCE00  }
0x2d: {  	[tilespmem:s14], [sflag:$0x1] =	stream.indirect.gather [hbm4b:s0+s13], $0x80, s18, s13, $0xb8;
	[tilespmem:$0x1DC00] =	vst v63  }
0x2e: {  	_ =	swait.ge [sflag:s15], $0x3200  }
0x2f: {  	[sflag:s15] =	ssyncset.done $0x0  }
0x30: {  	s18 =	sadd.s32 $0x3400, s18;
	[sflag:s15] =	ssyncadd.s32 $0xFFFFCE00  }
0x31: {  	[spmem:s3] =	stream.indirect.scatter.add.f32 [tilespmem:s14], [sflag:$0x2], $0x80, s18, s13, $0xb8;
	[tilespmem:$0x1DC00] =	vst v63  }
0x32: {  	_ =	swait.ge [sflag:s9], $0x3200  }
0x33: {  	s17 =	sadd.s32 $0x1, s17;
	[sflag:s9] =	ssyncset.done $0x0  }
0x34: {  	p0 =	sne.s32 s17, s8;
	[sflag:s9] =	ssyncadd.s32 $0xFFFFCE00  }
.Ltmp1:
0x35: {  	[bflag:$0x0] =	sbarrier.arrive $0xFFFF;
	(pc) =	sbr.rel @p0 .LBB2_1-.Ltmp1, $4  }
0x36: {  	[hbm:s16], [sflag:s11] =	dma.local [spmem:s12], $0x2800  }
0x37: {  	_ =	swait.ge [sflag:s9], $0x2800  }
0x38: {  	[sflag:s9] =	ssyncset.done $0x0  }
0x39: {  	[sflag:s9] =	ssyncadd.s32 $0xFFFFD800  }
0x3a: {  	_ =	sfence.sel $0x180000  }
0x3b: {  	[bflag:$0x0] =	sbarrier.arrive $0xFFFF  }
0x3c: {  	p0 =	sne.s32 s2, $0x0;
	_ =	strace $0x9000004A  }
0x3d: {  	s0 =	sadd.s32 @!p0 $0x100000, s1;
	[bflag:$0x2] =	sbarrier.arrive $0xFFFF  }
0x3e: {  	[sflag:s0] =	ssyncadd.tile.s32 @!p0 $0x1;
	_ =	shalt  }
.Lfunc_end2:
_tile_overlayer_lowered:
.L_overlay_start_2:
0x3f: {  	(tag) =	ssettag $0x2  }
0x40: {  	s0 =	rddreg [dreg:$0x0];
	s2 =	stileid.u32  }
0x41: {  	s1 =	rddreg [dreg:$0x1];
	p0 =	sne.s32 s2, $0x0  }
0x42: {  	s3 =	rddreg [dreg:$0x2];
	[bflag:$0x3] =	sbarrier.arrive $0xFFFF;
	s2 =	simm.s32 @!p0 $0x1C02  }
0x43: {  	[timem:s3], [sflag:s2] =	dma.local @!p0 [hbm:s0], s1  }
0x44: {  	s0 =	simm.s32 @!p0 $0x2  }
0x45: {  	_ =	swait.ge @!p0 [sflag:s0], s1  }
0x46: {  	s1 =	ssub.s32 @!p0 $0x0, s1;
	[sflag:s0] =	ssyncset.done @!p0 $0x0  }
0x47: {  	[sflag:s0] =	ssyncadd.s32 @!p0 s1  }
0x48: {  	[bflag:$0x3] =	sbarrier.arrive $0xFFFF  }
0x49: {  	_ =	shalt  }

// kernel: kernel.18.cloned.1.call-start
scs
__scs_entry_jumppad:
0x0: {  	(pc) =	sbr.rel $0x88, $3  }
0x1: {  	(tag) =	ssettag $0x0;
	lr =	simm.s32 $0x1  }
0x2: {  	[smem:$0x3F96] =	sst lr;
	_ =	strace $0xD0000000  }
0x3: {  	_ = 	snop  }
0x4: {  	_ = 	snop  }
0x5: {  	_ = 	snop  }
0x6: {  	_ = 	snop  }
0x7: {  	_ = 	snop  }
__scs_overlays_trampoline_lowered:
0x8: {  	[smem:$0x3FA5] =	sst s0  }
0x9: {  	[smem:$0x3FA6] =	sst s1  }
0xa: {  	[smem:$0x3FA7] =	sst s2  }
0xb: {  	[smem:$0x3FA8] =	sst s3  }
0xc: {  	[smem:$0x3FA9] =	sst s4  }
0xd: {  	[smem:$0x3FAA] =	sst s5  }
0xe: {  	[smem:$0x3FAB] =	sst s6  }
0xf: {  	[smem:$0x3FAC] =	sst s7  }
0x10: {  	[smem:$0x3FAD] =	sst s8  }
0x11: {  	[smem:$0x3FAE] =	sst s9;
	s0 =	simm.s32 @!p0 $0x0  }
0x12: {  	s1 =	sld [smem:$0x3F94];
	s0 =	simm.s32 @p0 $0x1  }
0x13: {  	[smem:$0x3FAF] =	sst s0;
	s0 =	simm.s32 @!p1 $0x0  }
0x14: {  	s2 =	sld [smem:$0x3F93];
	s0 =	simm.s32 @p1 $0x1  }
0x15: {  	[smem:$0x3FB0] =	sst s0;
	s0 =	simm.s32 @!p2 $0x0  }
0x16: {  	s3 =	sld [smem:$0x3FDB];
	s0 =	simm.s32 @p2 $0x1  }
0x17: {  	s4 =	simm.s32 $0x1BF5;
	[smem:$0x3FB2] =	sst s0  }
0x18: {  	s0 =	sld [smem:$0x3F95];
	_ =	swait.ge [sflag:s4], $0x0  }
0x19: {  	s7 =	sld [smem:$0x3F96]  }
0x1a: {  	s8 =	sadd.s32 $0xFFFFE003, lr  }
0x1b: {  	s9 =	sadd.s32 $0xFFFFFEF7, lr;
	s5 =	simm.s32 $0xFFFFFFFF;
	p2 =	slt.u32 s8, $0xFFFFF086  }
0x1c: {  	p1 =	slt.u32 s9, $0xF7A;
	s5 =	simm.s32 @!p2 $0x0  }
0x1d: {  	s5 =	simm.s32 @p1 $0x1;
	p0 =	seq.s32 s7, s2  }
0x1e: {  	s7 =	smul.u32 @!p0 $0xF7A, s2;
	p2 =	seq.s32 @!p0 s5, $0x0  }
0x1f: {  	s9 =	smul.u32 $0xF7A, s1;
	s8 =	simm.s32 @!p0 $0x1BF5;
	p2 =	por !p2, p0  }
0x20: {  	[sflag:s8] =	ssyncset.s32 @!p0 $0xFFFFF086;
	s6 =	sadd.s32 @!p0 s3, s7;
	s7 =	simm.s32 @!p0 $0x108  }
0x21: {  	s3 =	sadd.s32 s3, s9;
	s6 =	sadd.s32 @!p0 $0x88, s6;
	s7 =	simm.s32 @p2 $0x1082  }
0x22: {  	[simem:s7], [sflag:s8] =	dma.local @!p0 [hbm:s6], $0xF7A  }
0x23: {  	s9 =	sor.u32 $0xD0000000, s2;
	s6 =	simm.s32 $0x108;
	_ =	swait.ge @!p0 [sflag:s8], $0x0  }
0x24: {  	s3 =	sadd.s32 $0x88, s3;
	s6 =	simm.s32 @!p1 $0x1082;
	[sflag:s4] =	ssyncset.s32 $0xFFFFF086  }
0x25: {  	[simem:s6], [sflag:s4] =	dma.local [hbm:s3], $0xF7A  }
0x26: {  	[smem:$0x3F96] =	sst s1;
	(tag) =	ssettag s2;
	_ =	strace s9  }
0x27: {  	s1 =	sld [smem:$0x3FA6]  }
0x28: {  	s2 =	sld [smem:$0x3FA7]  }
0x29: {  	s4 =	sld [smem:$0x3FA9]  }
0x2a: {  	p0 =	seq.s32 s5, $0x0;
	s5 =	sld [smem:$0x3FAA]  }
0x2b: {  	s6 =	sld [smem:$0x3FAB]  }
0x2c: {  	s7 =	sld [smem:$0x3FAC]  }
0x2d: {  	s3 =	simm.s32 $0x108;
	s8 =	sld [smem:$0x3FAD]  }
0x2e: {  	s3 =	simm.s32 @!p0 $0x1082;
	s9 =	sld [smem:$0x3FAE]  }
0x2f: {  	lr =	sadd.s32 s0, s3;
	s0 =	sld [smem:$0x3FA5]  }
0x30: {  	s3 =	sld [smem:$0x3FA8]  }
0x31: {  	[smem:$0x3FB1] =	sst s10  }
0x32: {  	s10 =	sld [smem:$0x3FAF];
	_ =	sdelay $0x3  }
0x33: {  	p0 =	seq.s32 s10, $0x1;
	s10 =	sld [smem:$0x3FB1];
	_ =	sdelay $0x3  }
0x34: {  	[smem:$0x3FB1] =	sst s10  }
0x35: {  	s10 =	sld [smem:$0x3FB0];
	_ =	sdelay $0x3  }
0x36: {  	p1 =	seq.s32 s10, $0x1;
	s10 =	sld [smem:$0x3FB1];
	_ =	sdelay $0x3  }
0x37: {  	[smem:$0x3FB1] =	sst s10  }
0x38: {  	s10 =	sld [smem:$0x3FB2]  }
0x39: {  	_ = 	snop;
	(pc) =	sbr.ind lr, $3  }
0x3a: {  	_ = 	snop  }
0x3b: {  	_ = 	snop  }
0x3c: {  	p2 =	seq.s32 s10, $0x1;
	s10 =	sld [smem:$0x3FB1]  }
0x3d: {  	_ =	shalt  }
0x3e: {  	_ =	shalt  }
0x3f: {  	_ =	shalt  }
0x40: {  	_ =	shalt  }
0x41: {  	_ =	shalt  }
0x42: {  	_ =	shalt  }
0x43: {  	_ =	shalt  }
0x44: {  	_ =	shalt  }
0x45: {  	_ =	shalt  }
0x46: {  	_ =	shalt  }
0x47: {  	_ =	shalt  }
0x48: {  	_ =	shalt  }
0x49: {  	_ =	shalt  }
0x4a: {  	_ =	shalt  }
0x4b: {  	_ =	shalt  }
0x4c: {  	_ =	shalt  }
0x4d: {  	_ =	shalt  }
0x4e: {  	_ =	shalt  }
0x4f: {  	_ =	shalt  }
0x50: {  	_ =	shalt  }
0x51: {  	_ =	shalt  }
0x52: {  	_ =	shalt  }
0x53: {  	_ =	shalt  }
0x54: {  	_ =	shalt  }
0x55: {  	_ =	shalt  }
0x56: {  	_ =	shalt  }
0x57: {  	_ =	shalt  }
0x58: {  	_ =	shalt  }
0x59: {  	_ =	shalt  }
0x5a: {  	_ =	shalt  }
0x5b: {  	_ =	shalt  }
0x5c: {  	_ =	shalt  }
0x5d: {  	_ =	shalt  }
0x5e: {  	_ =	shalt  }
0x5f: {  	_ =	shalt  }
0x60: {  	_ =	shalt  }
0x61: {  	_ =	shalt  }
0x62: {  	_ =	shalt  }
0x63: {  	_ =	shalt  }
0x64: {  	_ =	shalt  }
0x65: {  	_ =	shalt  }
0x66: {  	_ =	shalt  }
0x67: {  	_ =	shalt  }
0x68: {  	_ =	shalt  }
0x69: {  	_ =	shalt  }
0x6a: {  	_ =	shalt  }
0x6b: {  	_ =	shalt  }
0x6c: {  	_ =	shalt  }
0x6d: {  	_ =	shalt  }
0x6e: {  	_ =	shalt  }
0x6f: {  	_ =	shalt  }
0x70: {  	_ =	shalt  }
0x71: {  	_ =	shalt  }
0x72: {  	_ =	shalt  }
0x73: {  	_ =	shalt  }
0x74: {  	_ =	shalt  }
0x75: {  	_ =	shalt  }
0x76: {  	_ =	shalt  }
0x77: {  	_ =	shalt  }
0x78: {  	_ =	shalt  }
0x79: {  	_ =	shalt  }
0x7a: {  	_ =	shalt  }
0x7b: {  	_ =	shalt  }
0x7c: {  	_ =	shalt  }
0x7d: {  	_ =	shalt  }
0x7e: {  	_ =	shalt  }
0x7f: {  	_ =	shalt  }
0x80: {  	_ =	shalt  }
0x81: {  	_ =	shalt  }
0x82: {  	_ =	shalt  }
0x83: {  	_ =	shalt  }
0x84: {  	_ =	shalt  }
0x85: {  	_ =	shalt  }
0x86: {  	_ =	shalt  }
0x87: {  	_ =	shalt  }
.Lfunc_end0:
.L_simem_size_0:
called_computation.2_lowered:
.L_overlay_start_0:
0x88: {  	s2 =	sld [smem:$0x3FD9]  }
0x89: {  	s3 =	sld [smem:$0x3FFE];
	_ =	sdelay $0x1  }
0x8a: {  	s1 =	srdreg.scid  }
0x8b: {  	s0 =	sand.u32 $0x1, s1  }
0x8c: {  	s17 =	sshll.u32 s0, $0xA;
	s2 =	sadd.s32 s3, s2  }
0x8d: {  	s2 =	sadd.s32 s2, s17  }
0x8e: {  	[smem:$0x3FBD] =	sst s2  }
0x8f: {  	_ = 	snop  }
0x90: {  	s2 =	sld [smem:$0x3FD0];
	(tm) =	ssettm $0x1  }
0x91: {  	s18 =	sld [smem:$0x3FFB];
	_ =	sdelay $0x3  }
0x92: {  	_ =	strace s18  }
0x93: {  	s3 =	sld [smem:$0x3FFC];
	_ =	sdelay $0x3  }
0x94: {  	_ =	strace s3  }
0x95: {  	s3 =	sld [smem:$0x3FFD];
	_ =	sdelay $0x3  }
0x96: {  	_ =	strace s3  }
0x97: {  	_ =	strace $0x8FFFFFFF  }
0x98: {  	s19 =	sld [smem:$0x3FDB];
	_ =	sdelay $0x1  }
0x99: {  	s4 =	simm.s32 $_scs_section_size  }
0x9a: {  	s5 =	simm.s32 $_size__tile_overlayer_lowered;
	s6 =	simm.s32 $_tile_overlayer_lowered  }
0x9b: {  	s22 =	simm.s32 $0x1BFF;
	s21 =	sshll.u32 s6, $0x1;
	s3 =	sadd.s32 s4, s19  }
0x9c: {  	s7 =	simm.s32 $0x0;
	s20 =	sshll.u32 s5, $0x1;
	s5 =	sadd.s32 s21, s3  }
0x9d: {  	[timem:s7], [sflag:s22] =	dma.local [hbm:s5], s20  }
0x9e: {  	_ =	swait.ge [sflag:s22], s20  }
0x9f: {  	s4 =	ssub.s32 $0x0, s20;
	[sflag:s22] =	ssyncset.done $0x0  }
0xa0: {  	[sflag:s22] =	ssyncadd.s32 s4;
	_ =	sdelay $0x1  }
0xa1: {  	s23 =	simm.s32 $0x1B8B  }
0xa2: {  	_ =	swait.ge [sflag:s23], $0x1  }
0xa3: {  	[sflag:s23] =	ssyncset.done $0x0  }
0xa4: {  	s25 =	simm.s32 $0x1B8E;
	s24 =	sld [smem:$0x3FFE];
	[sflag:s23] =	ssyncadd.s32 $0xFFFFFFFF  }
0xa5: {  	s26 =	simm.s32 $execute0_lowered;
	[smem:$0x3FD2] =	sst s25  }
0xa6: {  	s5 =	sshll.u32 s26, $0x1;
	_ =	strace $0x8000004C;
	[dreg:$0x1] =	wrdreg $0xFFFFFFFF  }
0xa7: {  	s28 =	simm.s32 $_size_execute0_lowered;
	s3 =	sadd.s32 s3, s5;
	[dreg:$0x0] =	wrdreg $0x0  }
0xa8: {  	s5 =	sshll.u32 s28, $0x1;
	[dreg:$0x2] =	wrdreg s3  }
0xa9: {  	[dreg:$0x3] =	wrdreg s5  }
0xaa: {  	[dreg:$0x4] =	wrdreg $0xC0  }
0xab: {  	_ =	task [dreg:s7], $0x5FFFF  }
0xac: {  	[dreg:$0x1] =	wrdreg $0xFFFFFFFF  }
0xad: {  	[dreg:$0x0] =	wrdreg $0x60  }
0xae: {  	[dreg:$0x2] =	wrdreg s2  }
0xaf: {  	[dreg:$0x3] =	wrdreg s24  }
0xb0: {  	[dreg:$0x4] =	wrdreg $0x9C000  }
0xb1: {  	[dreg:$0x5] =	wrdreg $0x9  }
0xb2: {  	_ =	task.clear_ibuf [dreg:s7], $0x6FFFF;
	_ =	strace $0x9000004C  }
0xb3: {  	s29 =	simm.s32 $0x9;
	_ =	strace $0x8000004E  }
0xb4: {  	_ =	swait.ge [sflag:s29], $0x1  }
0xb5: {  	[sflag:s29] =	ssyncadd.s32 $0xFFFFFFFF  }
0xb6: {  	_ =	strace $0x9000004E  }
0xb7: {  	_ =	sfence  }
0xb8: {  	s30 =	sld [smem:$0x0];
	_ =	sdelay $0x2  }
0xb9: {  	s31 =	sshll.u32 s1, $0xD;
	s1 =	sshrl.u32 s1, $0x2  }
0xba: {  	s3 =	sand.u32 $0x4000, s31;
	s1 =	sadd.s32 s1, s30  }
0xbb: {  	s0 =	sor.u32 s3, s0;
	s1 =	sshll.u32 s1, $0x11  }
0xbc: {  	s0 =	sor.u32 s1, s0  }
0xbd: {  	s0 =	sadd.s32 $0x8F2B, s0  }
0xbe: {  	[sflag:s0] =	ssyncadd.remote.s32 $0x1  }
0xbf: {  	_ =	sfence.sel $0xFFFF  }
0xc0: {  	[dreg:$0x0] =	wrdreg $0xFFFFFFFF;
	(pc) =	sbr.abs _section_cstart, $3  }
0xc1: {  	[dreg:$0x1] =	wrdreg $0xFFFFFFFF  }
0xc2: {  	_ =	task.clear_ibuf [dreg:s7], $0x2FFFF;
	_ =	strace $0x9FFFFFFF  }
0xc3: {  	(tm) =	ssettm $0x7FFFFFFF  }
tec
execute0_lowered:
.L_overlay_start_1:
0x0: {  	(tag) =	ssettag $0x1  }
0x1: {  	s0 =	rddreg [dreg:$0x0]  }
0x2: {  	s1 =	srdreg.scid;
	s6 =	rddreg [dreg:$0x1]  }
0x3: {  	s3 =	rddreg [dreg:$0x2];
	s2 =	stileid.u32  }
0x4: {  	s4 =	simm.s32 $0x0;
	s13 =	simm.s32 $0x64;
	s14 =	simm.s32 $0x6800  }
0x5: {  	s5 =	sand.u32 $0x1, s1;
	s1 =	rddreg [dreg:$0x3];
	s10 =	smul.u32 $0x50000, s2  }
0x6: {  	s15 =	simm.s32 $0x1;
	[smem:$0x7FF] =	sst s4;
	s17 =	smul.u32 $0x2800, s2  }
0x7: {  	s11 =	sshll.u32 s2, $0x6;
	s7 =	sshll.u32 s5, $0x4;
	_ =	strace $0x8000004D  }
0x8: {  	s8 =	smul.u32 $0x28000, s5;
	s9 =	ssub.s32 $0x2, s5;
	s5 =	sadd.s32 $0x1EA00, s6  }
0x9: {  	s11 =	sor.u32 $0x1C02, s11;
	s7 =	sor.u32 s2, s7;
	s31 =	sshrl.u32 s9, $0x1  }
0xa: {  	s10 =	sshrl.u32 s10, $0x2;
	s7 =	smul.u32 $0x680, s7;
	s8 =	sadd.s32 s8, s6  }
0xb: {  	s9 =	ssub.s32 s9, s31;
	s12 =	sadd.s32 s10, s3;
	s10 =	simm.s32 $0x3400  }
0xc: {  	s16 =	sadd.s32 $0x21200, s8;
	s8 =	smax.u32 s9, $0x1;
	s9 =	simm.s32 $0x2  }
0xd: {  	s12 =	sshrl.u32 s12, $0x3;
	s7 =	sadd.s32 s7, s6;
	s16 =	sadd.s32 s17, s16  }
0xe: {  	s17 =	simm.s32 $0x0;
	s6 =	sadd.s32 $0x11A00, s7;
	s7 =	sadd.s32 $0x4A00, s7  }
.LBB2_1:
0xf: {  	[tilespmem:s4], [sflag:$0x2] =	stream.linear.gather [hbm4b:s6+s4], $0x3200, $0x38;
	[tilespmem:$0x1DC00] =	vst v63  }
0x10: {  	_ =	swait.ge [sflag:s9], $0x3200  }
0x11: {  	[sflag:s9] =	ssyncset.done $0x0  }
0x12: {  	[sflag:s9] =	ssyncadd.s32 $0xFFFFCE00  }
0x13: {  	[tilespmem:s10], [sflag:$0x2] =	stream.linear.gather [hbm4b:s7+s4], $0x3200, $0x38;
	[tilespmem:$0x1DC00] =	vst v63  }
0x14: {  	_ =	swait.ge [sflag:s9], $0x3200  }
0x15: {  	[sflag:s9] =	ssyncset.done $0x0  }
0x16: {  	[sflag:s9] =	ssyncadd.s32 $0xFFFFCE00  }
0x17: {  	[spmem:s12], [sflag:s11] =	dma.local [hbm:s5], $0x2800  }
0x18: {  	_ =	swait.ge [sflag:s9], $0x2800  }
0x19: {  	[sflag:s9] =	ssyncset.done $0x0  }
0x1a: {  	[sflag:s9] =	ssyncadd.s32 $0xFFFFD800  }
0x1b: {  	s18 =	simm.s32 $0x0;
	[bflag:$0x0] =	sbarrier.arrive $0xFFFF  }
0x1c: {  	[tilespmem:s14], [sflag:$0x1] =	stream.indirect.gather [hbm4b:s0+s13], $0x80, s18, s13, $0xb8;
	[tilespmem:$0x1DC00] =	vst v63  }
0x1d: {  	_ =	swait.ge [sflag:s15], $0x3200  }
0x1e: {  	[sflag:s15] =	ssyncset.done $0x0  }
0x1f: {  	s31 =	simm.s32 $0x3400;
	[sflag:s15] =	ssyncadd.s32 $0xFFFFCE00  }
0x20: {  	[spmem:s3] =	stream.indirect.scatter.add.f32 [tilespmem:s14], [sflag:$0x2], $0x80, s31, s13, $0xb8;
	[tilespmem:$0x1DC00] =	vst v63  }
0x21: {  	_ =	swait.ge [sflag:s9], $0x3200  }
0x22: {  	s19 =	simm.s32 $0x400;
	s18 =	simm.s32 $0x200;
	[sflag:s9] =	ssyncset.done $0x0  }
.LBB2_2:
0x23: {  	s20 =	sshra.s32 s18, $0x2  }
0x24: {  	[sflag:s9] =	ssyncadd.s32 $0xFFFFCE00;
	s18 =	smov.u32 s19;
	s21 =	sadd.s32 $0x200, s19  }
0x25: {  	[tilespmem:s14], [sflag:$0x1] =	stream.indirect.gather [hbm4b:s0+s13], $0x80, s20, s13, $0xb8;
	[tilespmem:$0x1DC00] =	vst v63  }
0x26: {  	p0 =	sne.s32 s19, $0xC600;
	_ =	swait.ge [sflag:s15], $0x3200  }
.Ltmp0:
0x27: {  	[sflag:s15] =	ssyncset.done $0x0;
	(pc) =	sbr.rel @p0 .LBB2_2-.Ltmp0, $4  }
0x28: {  	s19 =	sadd.s32 $0x3400, s20;
	[sflag:s15] =	ssyncadd.s32 $0xFFFFCE00  }
0x29: {  	[spmem:s3] =	stream.indirect.scatter.add.f32 [tilespmem:s14], [sflag:$0x2], $0x80, s19, s13, $0xb8;
	[tilespmem:$0x1DC00] =	vst v63  }
0x2a: {  	_ =	swait.ge [sflag:s9], $0x3200  }
0x2b: {  	s19 =	smov.u32 s21;
	[sflag:s9] =	ssyncset.done $0x0  }
0x2c: {  	s18 =	sshra.s32 s18, $0x2;
	[sflag:s9] =	ssyncadd.s32 $0xFFFFCE00  }
0x2d: {  	[tilespmem:s14], [sflag:$0x1] =	stream.indirect.gather [hbm4b:s0+s13], $0x80, s18, s13, $0xb8;
	[tilespmem:$0x1DC00] =	vst v63  }
0x2e: {  	_ =	swait.ge [sflag:s15], $0x3200  }
0x2f: {  	[sflag:s15] =	ssyncset.done $0x0  }
0x30: {  	s18 =	sadd.s32 $0x3400, s18;
	[sflag:s15] =	ssyncadd.s32 $0xFFFFCE00  }
0x31: {  	[spmem:s3] =	stream.indirect.scatter.add.f32 [tilespmem:s14], [sflag:$0x2], $0x80, s18, s13, $0xb8;
	[tilespmem:$0x1DC00] =	vst v63  }
0x32: {  	_ =	swait.ge [sflag:s9], $0x3200  }
0x33: {  	s17 =	sadd.s32 $0x1, s17;
	[sflag:s9] =	ssyncset.done $0x0  }
0x34: {  	p0 =	sne.s32 s17, s8;
	[sflag:s9] =	ssyncadd.s32 $0xFFFFCE00  }
.Ltmp1:
0x35: {  	[bflag:$0x0] =	sbarrier.arrive $0xFFFF;
	(pc) =	sbr.rel @p0 .LBB2_1-.Ltmp1, $4  }
0x36: {  	[hbm:s16], [sflag:s11] =	dma.local [spmem:s12], $0x2800  }
0x37: {  	_ =	swait.ge [sflag:s9], $0x2800  }
0x38: {  	[sflag:s9] =	ssyncset.done $0x0  }
0x39: {  	[sflag:s9] =	ssyncadd.s32 $0xFFFFD800  }
0x3a: {  	_ =	sfence.sel $0x180000  }
0x3b: {  	[bflag:$0x0] =	sbarrier.arrive $0xFFFF  }
0x3c: {  	p0 =	sne.s32 s2, $0x0;
	_ =	strace $0x9000004D  }
0x3d: {  	s0 =	sadd.s32 @!p0 $0x100000, s1;
	[bflag:$0x2] =	sbarrier.arrive $0xFFFF  }
0x3e: {  	[sflag:s0] =	ssyncadd.tile.s32 @!p0 $0x1;
	_ =	shalt  }
.Lfunc_end2:
_tile_overlayer_lowered:
.L_overlay_start_2:
0x3f: {  	(tag) =	ssettag $0x2  }
0x40: {  	s0 =	rddreg [dreg:$0x0];
	s2 =	stileid.u32  }
0x41: {  	s1 =	rddreg [dreg:$0x1];
	p0 =	sne.s32 s2, $0x0  }
0x42: {  	s3 =	rddreg [dreg:$0x2];
	[bflag:$0x3] =	sbarrier.arrive $0xFFFF;
	s2 =	simm.s32 @!p0 $0x1C02  }
0x43: {  	[timem:s3], [sflag:s2] =	dma.local @!p0 [hbm:s0], s1  }
0x44: {  	s0 =	simm.s32 @!p0 $0x2  }
0x45: {  	_ =	swait.ge @!p0 [sflag:s0], s1  }
0x46: {  	s1 =	ssub.s32 @!p0 $0x0, s1;
	[sflag:s0] =	ssyncset.done @!p0 $0x0  }
0x47: {  	[sflag:s0] =	ssyncadd.s32 @!p0 s1  }
0x48: {  	[bflag:$0x3] =	sbarrier.arrive $0xFFFF  }
0x49: {  	_ =	shalt  }

// kernel: kernel.21.cloned.1.call-start
scs
__scs_entry_jumppad:
0x0: {  	(pc) =	sbr.rel $0x88, $3  }
0x1: {  	(tag) =	ssettag $0x0;
	lr =	simm.s32 $0x1  }
0x2: {  	[smem:$0x3F96] =	sst lr;
	_ =	strace $0xD0000000  }
0x3: {  	_ = 	snop  }
0x4: {  	_ = 	snop  }
0x5: {  	_ = 	snop  }
0x6: {  	_ = 	snop  }
0x7: {  	_ = 	snop  }
__scs_overlays_trampoline_lowered:
0x8: {  	[smem:$0x3FA5] =	sst s0  }
0x9: {  	[smem:$0x3FA6] =	sst s1  }
0xa: {  	[smem:$0x3FA7] =	sst s2  }
0xb: {  	[smem:$0x3FA8] =	sst s3  }
0xc: {  	[smem:$0x3FA9] =	sst s4  }
0xd: {  	[smem:$0x3FAA] =	sst s5  }
0xe: {  	[smem:$0x3FAB] =	sst s6  }
0xf: {  	[smem:$0x3FAC] =	sst s7  }
0x10: {  	[smem:$0x3FAD] =	sst s8  }
0x11: {  	[smem:$0x3FAE] =	sst s9;
	s0 =	simm.s32 @!p0 $0x0  }
0x12: {  	s1 =	sld [smem:$0x3F94];
	s0 =	simm.s32 @p0 $0x1  }
0x13: {  	[smem:$0x3FAF] =	sst s0;
	s0 =	simm.s32 @!p1 $0x0  }
0x14: {  	s2 =	sld [smem:$0x3F93];
	s0 =	simm.s32 @p1 $0x1  }
0x15: {  	[smem:$0x3FB0] =	sst s0;
	s0 =	simm.s32 @!p2 $0x0  }
0x16: {  	s3 =	sld [smem:$0x3FDB];
	s0 =	simm.s32 @p2 $0x1  }
0x17: {  	s4 =	simm.s32 $0x1BF5;
	[smem:$0x3FB2] =	sst s0  }
0x18: {  	s0 =	sld [smem:$0x3F95];
	_ =	swait.ge [sflag:s4], $0x0  }
0x19: {  	s7 =	sld [smem:$0x3F96]  }
0x1a: {  	s8 =	sadd.s32 $0xFFFFE003, lr  }
0x1b: {  	s9 =	sadd.s32 $0xFFFFFEF7, lr;
	s5 =	simm.s32 $0xFFFFFFFF;
	p2 =	slt.u32 s8, $0xFFFFF086  }
0x1c: {  	p1 =	slt.u32 s9, $0xF7A;
	s5 =	simm.s32 @!p2 $0x0  }
0x1d: {  	s5 =	simm.s32 @p1 $0x1;
	p0 =	seq.s32 s7, s2  }
0x1e: {  	s7 =	smul.u32 @!p0 $0xF7A, s2;
	p2 =	seq.s32 @!p0 s5, $0x0  }
0x1f: {  	s9 =	smul.u32 $0xF7A, s1;
	s8 =	simm.s32 @!p0 $0x1BF5;
	p2 =	por !p2, p0  }
0x20: {  	[sflag:s8] =	ssyncset.s32 @!p0 $0xFFFFF086;
	s6 =	sadd.s32 @!p0 s3, s7;
	s7 =	simm.s32 @!p0 $0x108  }
0x21: {  	s3 =	sadd.s32 s3, s9;
	s6 =	sadd.s32 @!p0 $0x88, s6;
	s7 =	simm.s32 @p2 $0x1082  }
0x22: {  	[simem:s7], [sflag:s8] =	dma.local @!p0 [hbm:s6], $0xF7A  }
0x23: {  	s9 =	sor.u32 $0xD0000000, s2;
	s6 =	simm.s32 $0x108;
	_ =	swait.ge @!p0 [sflag:s8], $0x0  }
0x24: {  	s3 =	sadd.s32 $0x88, s3;
	s6 =	simm.s32 @!p1 $0x1082;
	[sflag:s4] =	ssyncset.s32 $0xFFFFF086  }
0x25: {  	[simem:s6], [sflag:s4] =	dma.local [hbm:s3], $0xF7A  }
0x26: {  	[smem:$0x3F96] =	sst s1;
	(tag) =	ssettag s2;
	_ =	strace s9  }
0x27: {  	s1 =	sld [smem:$0x3FA6]  }
0x28: {  	s2 =	sld [smem:$0x3FA7]  }
0x29: {  	s4 =	sld [smem:$0x3FA9]  }
0x2a: {  	p0 =	seq.s32 s5, $0x0;
	s5 =	sld [smem:$0x3FAA]  }
0x2b: {  	s6 =	sld [smem:$0x3FAB]  }
0x2c: {  	s7 =	sld [smem:$0x3FAC]  }
0x2d: {  	s3 =	simm.s32 $0x108;
	s8 =	sld [smem:$0x3FAD]  }
0x2e: {  	s3 =	simm.s32 @!p0 $0x1082;
	s9 =	sld [smem:$0x3FAE]  }
0x2f: {  	lr =	sadd.s32 s0, s3;
	s0 =	sld [smem:$0x3FA5]  }
0x30: {  	s3 =	sld [smem:$0x3FA8]  }
0x31: {  	[smem:$0x3FB1] =	sst s10  }
0x32: {  	s10 =	sld [smem:$0x3FAF];
	_ =	sdelay $0x3  }
0x33: {  	p0 =	seq.s32 s10, $0x1;
	s10 =	sld [smem:$0x3FB1];
	_ =	sdelay $0x3  }
0x34: {  	[smem:$0x3FB1] =	sst s10  }
0x35: {  	s10 =	sld [smem:$0x3FB0];
	_ =	sdelay $0x3  }
0x36: {  	p1 =	seq.s32 s10, $0x1;
	s10 =	sld [smem:$0x3FB1];
	_ =	sdelay $0x3  }
0x37: {  	[smem:$0x3FB1] =	sst s10  }
0x38: {  	s10 =	sld [smem:$0x3FB2]  }
0x39: {  	_ = 	snop;
	(pc) =	sbr.ind lr, $3  }
0x3a: {  	_ = 	snop  }
0x3b: {  	_ = 	snop  }
0x3c: {  	p2 =	seq.s32 s10, $0x1;
	s10 =	sld [smem:$0x3FB1]  }
0x3d: {  	_ =	shalt  }
0x3e: {  	_ =	shalt  }
0x3f: {  	_ =	shalt  }
0x40: {  	_ =	shalt  }
0x41: {  	_ =	shalt  }
0x42: {  	_ =	shalt  }
0x43: {  	_ =	shalt  }
0x44: {  	_ =	shalt  }
0x45: {  	_ =	shalt  }
0x46: {  	_ =	shalt  }
0x47: {  	_ =	shalt  }
0x48: {  	_ =	shalt  }
0x49: {  	_ =	shalt  }
0x4a: {  	_ =	shalt  }
0x4b: {  	_ =	shalt  }
0x4c: {  	_ =	shalt  }
0x4d: {  	_ =	shalt  }
0x4e: {  	_ =	shalt  }
0x4f: {  	_ =	shalt  }
0x50: {  	_ =	shalt  }
0x51: {  	_ =	shalt  }
0x52: {  	_ =	shalt  }
0x53: {  	_ =	shalt  }
0x54: {  	_ =	shalt  }
0x55: {  	_ =	shalt  }
0x56: {  	_ =	shalt  }
0x57: {  	_ =	shalt  }
0x58: {  	_ =	shalt  }
0x59: {  	_ =	shalt  }
0x5a: {  	_ =	shalt  }
0x5b: {  	_ =	shalt  }
0x5c: {  	_ =	shalt  }
0x5d: {  	_ =	shalt  }
0x5e: {  	_ =	shalt  }
0x5f: {  	_ =	shalt  }
0x60: {  	_ =	shalt  }
0x61: {  	_ =	shalt  }
0x62: {  	_ =	shalt  }
0x63: {  	_ =	shalt  }
0x64: {  	_ =	shalt  }
0x65: {  	_ =	shalt  }
0x66: {  	_ =	shalt  }
0x67: {  	_ =	shalt  }
0x68: {  	_ =	shalt  }
0x69: {  	_ =	shalt  }
0x6a: {  	_ =	shalt  }
0x6b: {  	_ =	shalt  }
0x6c: {  	_ =	shalt  }
0x6d: {  	_ =	shalt  }
0x6e: {  	_ =	shalt  }
0x6f: {  	_ =	shalt  }
0x70: {  	_ =	shalt  }
0x71: {  	_ =	shalt  }
0x72: {  	_ =	shalt  }
0x73: {  	_ =	shalt  }
0x74: {  	_ =	shalt  }
0x75: {  	_ =	shalt  }
0x76: {  	_ =	shalt  }
0x77: {  	_ =	shalt  }
0x78: {  	_ =	shalt  }
0x79: {  	_ =	shalt  }
0x7a: {  	_ =	shalt  }
0x7b: {  	_ =	shalt  }
0x7c: {  	_ =	shalt  }
0x7d: {  	_ =	shalt  }
0x7e: {  	_ =	shalt  }
0x7f: {  	_ =	shalt  }
0x80: {  	_ =	shalt  }
0x81: {  	_ =	shalt  }
0x82: {  	_ =	shalt  }
0x83: {  	_ =	shalt  }
0x84: {  	_ =	shalt  }
0x85: {  	_ =	shalt  }
0x86: {  	_ =	shalt  }
0x87: {  	_ =	shalt  }
.Lfunc_end0:
.L_simem_size_0:
called_computation.3_lowered:
.L_overlay_start_0:
0x88: {  	s2 =	sld [smem:$0x3FD9]  }
0x89: {  	s3 =	sld [smem:$0x3FFE];
	_ =	sdelay $0x1  }
0x8a: {  	s1 =	srdreg.scid  }
0x8b: {  	s0 =	sand.u32 $0x1, s1  }
0x8c: {  	s17 =	sshll.u32 s0, $0xA;
	s2 =	sadd.s32 s3, s2  }
0x8d: {  	s2 =	sadd.s32 s2, s17  }
0x8e: {  	[smem:$0x3FBD] =	sst s2  }
0x8f: {  	_ = 	snop  }
0x90: {  	s2 =	sld [smem:$0x3FD0];
	(tm) =	ssettm $0x1  }
0x91: {  	s18 =	sld [smem:$0x3FFB];
	_ =	sdelay $0x3  }
0x92: {  	_ =	strace s18  }
0x93: {  	s3 =	sld [smem:$0x3FFC];
	_ =	sdelay $0x3  }
0x94: {  	_ =	strace s3  }
0x95: {  	s3 =	sld [smem:$0x3FFD];
	_ =	sdelay $0x3  }
0x96: {  	_ =	strace s3  }
0x97: {  	_ =	strace $0x8FFFFFFF  }
0x98: {  	s19 =	sld [smem:$0x3FDB];
	_ =	sdelay $0x1  }
0x99: {  	s4 =	simm.s32 $_scs_section_size  }
0x9a: {  	s5 =	simm.s32 $_size__tile_overlayer_lowered;
	s6 =	simm.s32 $_tile_overlayer_lowered  }
0x9b: {  	s22 =	simm.s32 $0x1BFF;
	s21 =	sshll.u32 s6, $0x1;
	s3 =	sadd.s32 s4, s19  }
0x9c: {  	s7 =	simm.s32 $0x0;
	s20 =	sshll.u32 s5, $0x1;
	s5 =	sadd.s32 s21, s3  }
0x9d: {  	[timem:s7], [sflag:s22] =	dma.local [hbm:s5], s20  }
0x9e: {  	_ =	swait.ge [sflag:s22], s20  }
0x9f: {  	s4 =	ssub.s32 $0x0, s20;
	[sflag:s22] =	ssyncset.done $0x0  }
0xa0: {  	[sflag:s22] =	ssyncadd.s32 s4;
	_ =	sdelay $0x1  }
0xa1: {  	s23 =	simm.s32 $0x1B8B  }
0xa2: {  	_ =	swait.ge [sflag:s23], $0x1  }
0xa3: {  	[sflag:s23] =	ssyncset.done $0x0  }
0xa4: {  	s25 =	simm.s32 $0x1B8E;
	s24 =	sld [smem:$0x3FFE];
	[sflag:s23] =	ssyncadd.s32 $0xFFFFFFFF  }
0xa5: {  	s26 =	simm.s32 $execute0_lowered;
	[smem:$0x3FD2] =	sst s25  }
0xa6: {  	s5 =	sshll.u32 s26, $0x1;
	_ =	strace $0x8000004F;
	[dreg:$0x1] =	wrdreg $0xFFFFFFFF  }
0xa7: {  	s28 =	simm.s32 $_size_execute0_lowered;
	s3 =	sadd.s32 s3, s5;
	[dreg:$0x0] =	wrdreg $0x0  }
0xa8: {  	s5 =	sshll.u32 s28, $0x1;
	[dreg:$0x2] =	wrdreg s3  }
0xa9: {  	[dreg:$0x3] =	wrdreg s5  }
0xaa: {  	[dreg:$0x4] =	wrdreg $0xC0  }
0xab: {  	_ =	task [dreg:s7], $0x5FFFF  }
0xac: {  	[dreg:$0x1] =	wrdreg $0xFFFFFFFF  }
0xad: {  	[dreg:$0x0] =	wrdreg $0x60  }
0xae: {  	[dreg:$0x2] =	wrdreg s2  }
0xaf: {  	[dreg:$0x3] =	wrdreg s24  }
0xb0: {  	[dreg:$0x4] =	wrdreg $0x9C000  }
0xb1: {  	[dreg:$0x5] =	wrdreg $0x9  }
0xb2: {  	_ =	task.clear_ibuf [dreg:s7], $0x6FFFF;
	_ =	strace $0x9000004F  }
0xb3: {  	s29 =	simm.s32 $0x9;
	_ =	strace $0x80000051  }
0xb4: {  	_ =	swait.ge [sflag:s29], $0x1  }
0xb5: {  	[sflag:s29] =	ssyncadd.s32 $0xFFFFFFFF  }
0xb6: {  	_ =	strace $0x90000051  }
0xb7: {  	_ =	sfence  }
0xb8: {  	s30 =	sld [smem:$0x0];
	_ =	sdelay $0x2  }
0xb9: {  	s31 =	sshll.u32 s1, $0xD;
	s1 =	sshrl.u32 s1, $0x2  }
0xba: {  	s3 =	sand.u32 $0x4000, s31;
	s1 =	sadd.s32 s1, s30  }
0xbb: {  	s0 =	sor.u32 s3, s0;
	s1 =	sshll.u32 s1, $0x11  }
0xbc: {  	s0 =	sor.u32 s1, s0  }
0xbd: {  	s0 =	sadd.s32 $0x8F2B, s0  }
0xbe: {  	[sflag:s0] =	ssyncadd.remote.s32 $0x1  }
0xbf: {  	_ =	sfence.sel $0xFFFF  }
0xc0: {  	[dreg:$0x0] =	wrdreg $0xFFFFFFFF;
	(pc) =	sbr.abs _section_cstart, $3  }
0xc1: {  	[dreg:$0x1] =	wrdreg $0xFFFFFFFF  }
0xc2: {  	_ =	task.clear_ibuf [dreg:s7], $0x2FFFF;
	_ =	strace $0x9FFFFFFF  }
0xc3: {  	(tm) =	ssettm $0x7FFFFFFF  }
tec
execute0_lowered:
.L_overlay_start_1:
0x0: {  	(tag) =	ssettag $0x1  }
0x1: {  	s0 =	rddreg [dreg:$0x0]  }
0x2: {  	s1 =	srdreg.scid;
	s6 =	rddreg [dreg:$0x1]  }
0x3: {  	s3 =	rddreg [dreg:$0x2];
	s2 =	stileid.u32  }
0x4: {  	s4 =	simm.s32 $0x0;
	s13 =	simm.s32 $0x64;
	s14 =	simm.s32 $0x6800  }
0x5: {  	s5 =	sand.u32 $0x1, s1;
	s1 =	rddreg [dreg:$0x3];
	s10 =	smul.u32 $0x50000, s2  }
0x6: {  	s15 =	simm.s32 $0x1;
	[smem:$0x7FF] =	sst s4;
	s17 =	smul.u32 $0x2800, s2  }
0x7: {  	s11 =	sshll.u32 s2, $0x6;
	s7 =	sshll.u32 s5, $0x4;
	_ =	strace $0x80000050  }
0x8: {  	s8 =	smul.u32 $0x28000, s5;
	s9 =	ssub.s32 $0x2, s5;
	s5 =	sadd.s32 $0x1EA00, s6  }
0x9: {  	s11 =	sor.u32 $0x1C02, s11;
	s7 =	sor.u32 s2, s7;
	s31 =	sshrl.u32 s9, $0x1  }
0xa: {  	s10 =	sshrl.u32 s10, $0x2;
	s7 =	smul.u32 $0x680, s7;
	s8 =	sadd.s32 s8, s6  }
0xb: {  	s9 =	ssub.s32 s9, s31;
	s12 =	sadd.s32 s10, s3;
	s10 =	simm.s32 $0x3400  }
0xc: {  	s16 =	sadd.s32 $0x21200, s8;
	s8 =	smax.u32 s9, $0x1;
	s9 =	simm.s32 $0x2  }
0xd: {  	s12 =	sshrl.u32 s12, $0x3;
	s7 =	sadd.s32 s7, s6;
	s16 =	sadd.s32 s17, s16  }
0xe: {  	s17 =	simm.s32 $0x0;
	s6 =	sadd.s32 $0x11A00, s7;
	s7 =	sadd.s32 $0x4A00, s7  }
.LBB2_1:
0xf: {  	[tilespmem:s4], [sflag:$0x2] =	stream.linear.gather [hbm4b:s6+s4], $0x3200, $0x38;
	[tilespmem:$0x1DC00] =	vst v63  }
0x10: {  	_ =	swait.ge [sflag:s9], $0x3200  }
0x11: {  	[sflag:s9] =	ssyncset.done $0x0  }
0x12: {  	[sflag:s9] =	ssyncadd.s32 $0xFFFFCE00  }
0x13: {  	[tilespmem:s10], [sflag:$0x2] =	stream.linear.gather [hbm4b:s7+s4], $0x3200, $0x38;
	[tilespmem:$0x1DC00] =	vst v63  }
0x14: {  	_ =	swait.ge [sflag:s9], $0x3200  }
0x15: {  	[sflag:s9] =	ssyncset.done $0x0  }
0x16: {  	[sflag:s9] =	ssyncadd.s32 $0xFFFFCE00  }
0x17: {  	[spmem:s12], [sflag:s11] =	dma.local [hbm:s5], $0x2800  }
0x18: {  	_ =	swait.ge [sflag:s9], $0x2800  }
0x19: {  	[sflag:s9] =	ssyncset.done $0x0  }
0x1a: {  	[sflag:s9] =	ssyncadd.s32 $0xFFFFD800  }
0x1b: {  	s18 =	simm.s32 $0x0;
	[bflag:$0x0] =	sbarrier.arrive $0xFFFF  }
0x1c: {  	[tilespmem:s14], [sflag:$0x1] =	stream.indirect.gather [hbm4b:s0+s13], $0x80, s18, s13, $0xb8;
	[tilespmem:$0x1DC00] =	vst v63  }
0x1d: {  	_ =	swait.ge [sflag:s15], $0x3200  }
0x1e: {  	[sflag:s15] =	ssyncset.done $0x0  }
0x1f: {  	s31 =	simm.s32 $0x3400;
	[sflag:s15] =	ssyncadd.s32 $0xFFFFCE00  }
0x20: {  	[spmem:s3] =	stream.indirect.scatter.add.f32 [tilespmem:s14], [sflag:$0x2], $0x80, s31, s13, $0xb8;
	[tilespmem:$0x1DC00] =	vst v63  }
0x21: {  	_ =	swait.ge [sflag:s9], $0x3200  }
0x22: {  	s19 =	simm.s32 $0x400;
	s18 =	simm.s32 $0x200;
	[sflag:s9] =	ssyncset.done $0x0  }
.LBB2_2:
0x23: {  	s20 =	sshra.s32 s18, $0x2  }
0x24: {  	[sflag:s9] =	ssyncadd.s32 $0xFFFFCE00;
	s18 =	smov.u32 s19;
	s21 =	sadd.s32 $0x200, s19  }
0x25: {  	[tilespmem:s14], [sflag:$0x1] =	stream.indirect.gather [hbm4b:s0+s13], $0x80, s20, s13, $0xb8;
	[tilespmem:$0x1DC00] =	vst v63  }
0x26: {  	p0 =	sne.s32 s19, $0xC600;
	_ =	swait.ge [sflag:s15], $0x3200  }
.Ltmp0:
0x27: {  	[sflag:s15] =	ssyncset.done $0x0;
	(pc) =	sbr.rel @p0 .LBB2_2-.Ltmp0, $4  }
0x28: {  	s19 =	sadd.s32 $0x3400, s20;
	[sflag:s15] =	ssyncadd.s32 $0xFFFFCE00  }
0x29: {  	[spmem:s3] =	stream.indirect.scatter.add.f32 [tilespmem:s14], [sflag:$0x2], $0x80, s19, s13, $0xb8;
	[tilespmem:$0x1DC00] =	vst v63  }
0x2a: {  	_ =	swait.ge [sflag:s9], $0x3200  }
0x2b: {  	s19 =	smov.u32 s21;
	[sflag:s9] =	ssyncset.done $0x0  }
0x2c: {  	s18 =	sshra.s32 s18, $0x2;
	[sflag:s9] =	ssyncadd.s32 $0xFFFFCE00  }
0x2d: {  	[tilespmem:s14], [sflag:$0x1] =	stream.indirect.gather [hbm4b:s0+s13], $0x80, s18, s13, $0xb8;
	[tilespmem:$0x1DC00] =	vst v63  }
0x2e: {  	_ =	swait.ge [sflag:s15], $0x3200  }
0x2f: {  	[sflag:s15] =	ssyncset.done $0x0  }
0x30: {  	s18 =	sadd.s32 $0x3400, s18;
	[sflag:s15] =	ssyncadd.s32 $0xFFFFCE00  }
0x31: {  	[spmem:s3] =	stream.indirect.scatter.add.f32 [tilespmem:s14], [sflag:$0x2], $0x80, s18, s13, $0xb8;
	[tilespmem:$0x1DC00] =	vst v63  }
0x32: {  	_ =	swait.ge [sflag:s9], $0x3200  }
0x33: {  	s17 =	sadd.s32 $0x1, s17;
	[sflag:s9] =	ssyncset.done $0x0  }
0x34: {  	p0 =	sne.s32 s17, s8;
	[sflag:s9] =	ssyncadd.s32 $0xFFFFCE00  }
.Ltmp1:
0x35: {  	[bflag:$0x0] =	sbarrier.arrive $0xFFFF;
	(pc) =	sbr.rel @p0 .LBB2_1-.Ltmp1, $4  }
0x36: {  	[hbm:s16], [sflag:s11] =	dma.local [spmem:s12], $0x2800  }
0x37: {  	_ =	swait.ge [sflag:s9], $0x2800  }
0x38: {  	[sflag:s9] =	ssyncset.done $0x0  }
0x39: {  	[sflag:s9] =	ssyncadd.s32 $0xFFFFD800  }
0x3a: {  	_ =	sfence.sel $0x180000  }
0x3b: {  	[bflag:$0x0] =	sbarrier.arrive $0xFFFF  }
0x3c: {  	p0 =	sne.s32 s2, $0x0;
	_ =	strace $0x90000050  }
0x3d: {  	s0 =	sadd.s32 @!p0 $0x100000, s1;
	[bflag:$0x2] =	sbarrier.arrive $0xFFFF  }
0x3e: {  	[sflag:s0] =	ssyncadd.tile.s32 @!p0 $0x1;
	_ =	shalt  }
.Lfunc_end2:
_tile_overlayer_lowered:
.L_overlay_start_2:
0x3f: {  	(tag) =	ssettag $0x2  }
0x40: {  	s0 =	rddreg [dreg:$0x0];
	s2 =	stileid.u32  }
0x41: {  	s1 =	rddreg [dreg:$0x1];
	p0 =	sne.s32 s2, $0x0  }
0x42: {  	s3 =	rddreg [dreg:$0x2];
	[bflag:$0x3] =	sbarrier.arrive $0xFFFF;
	s2 =	simm.s32 @!p0 $0x1C02  }
0x43: {  	[timem:s3], [sflag:s2] =	dma.local @!p0 [hbm:s0], s1  }
0x44: {  	s0 =	simm.s32 @!p0 $0x2  }
0x45: {  	_ =	swait.ge @!p0 [sflag:s0], s1  }
0x46: {  	s1 =	ssub.s32 @!p0 $0x0, s1;
	[sflag:s0] =	ssyncset.done @!p0 $0x0  }
0x47: {  	[sflag:s0] =	ssyncadd.s32 @!p0 s1  }
0x48: {  	[bflag:$0x3] =	sbarrier.arrive $0xFFFF  }
0x49: {  	_ =	shalt  }

// kernel: kernel.24.cloned.1.call-start
scs
__scs_entry_jumppad:
0x0: {  	(pc) =	sbr.rel $0x88, $3  }
0x1: {  	(tag) =	ssettag $0x0;
	lr =	simm.s32 $0x1  }
0x2: {  	[smem:$0x3F96] =	sst lr;
	_ =	strace $0xD0000000  }
0x3: {  	_ = 	snop  }
0x4: {  	_ = 	snop  }
0x5: {  	_ = 	snop  }
0x6: {  	_ = 	snop  }
0x7: {  	_ = 	snop  }
__scs_overlays_trampoline_lowered:
0x8: {  	[smem:$0x3FA5] =	sst s0  }
0x9: {  	[smem:$0x3FA6] =	sst s1  }
0xa: {  	[smem:$0x3FA7] =	sst s2  }
0xb: {  	[smem:$0x3FA8] =	sst s3  }
0xc: {  	[smem:$0x3FA9] =	sst s4  }
0xd: {  	[smem:$0x3FAA] =	sst s5  }
0xe: {  	[smem:$0x3FAB] =	sst s6  }
0xf: {  	[smem:$0x3FAC] =	sst s7  }
0x10: {  	[smem:$0x3FAD] =	sst s8  }
0x11: {  	[smem:$0x3FAE] =	sst s9;
	s0 =	simm.s32 @!p0 $0x0  }
0x12: {  	s1 =	sld [smem:$0x3F94];
	s0 =	simm.s32 @p0 $0x1  }
0x13: {  	[smem:$0x3FAF] =	sst s0;
	s0 =	simm.s32 @!p1 $0x0  }
0x14: {  	s2 =	sld [smem:$0x3F93];
	s0 =	simm.s32 @p1 $0x1  }
0x15: {  	[smem:$0x3FB0] =	sst s0;
	s0 =	simm.s32 @!p2 $0x0  }
0x16: {  	s3 =	sld [smem:$0x3FDB];
	s0 =	simm.s32 @p2 $0x1  }
0x17: {  	s4 =	simm.s32 $0x1BF5;
	[smem:$0x3FB2] =	sst s0  }
0x18: {  	s0 =	sld [smem:$0x3F95];
	_ =	swait.ge [sflag:s4], $0x0  }
0x19: {  	s7 =	sld [smem:$0x3F96]  }
0x1a: {  	s8 =	sadd.s32 $0xFFFFE003, lr  }
0x1b: {  	s9 =	sadd.s32 $0xFFFFFEF7, lr;
	s5 =	simm.s32 $0xFFFFFFFF;
	p2 =	slt.u32 s8, $0xFFFFF086  }
0x1c: {  	p1 =	slt.u32 s9, $0xF7A;
	s5 =	simm.s32 @!p2 $0x0  }
0x1d: {  	s5 =	simm.s32 @p1 $0x1;
	p0 =	seq.s32 s7, s2  }
0x1e: {  	s7 =	smul.u32 @!p0 $0xF7A, s2;
	p2 =	seq.s32 @!p0 s5, $0x0  }
0x1f: {  	s9 =	smul.u32 $0xF7A, s1;
	s8 =	simm.s32 @!p0 $0x1BF5;
	p2 =	por !p2, p0  }
0x20: {  	[sflag:s8] =	ssyncset.s32 @!p0 $0xFFFFF086;
	s6 =	sadd.s32 @!p0 s3, s7;
	s7 =	simm.s32 @!p0 $0x108  }
0x21: {  	s3 =	sadd.s32 s3, s9;
	s6 =	sadd.s32 @!p0 $0x88, s6;
	s7 =	simm.s32 @p2 $0x1082  }
0x22: {  	[simem:s7], [sflag:s8] =	dma.local @!p0 [hbm:s6], $0xF7A  }
0x23: {  	s9 =	sor.u32 $0xD0000000, s2;
	s6 =	simm.s32 $0x108;
	_ =	swait.ge @!p0 [sflag:s8], $0x0  }
0x24: {  	s3 =	sadd.s32 $0x88, s3;
	s6 =	simm.s32 @!p1 $0x1082;
	[sflag:s4] =	ssyncset.s32 $0xFFFFF086  }
0x25: {  	[simem:s6], [sflag:s4] =	dma.local [hbm:s3], $0xF7A  }
0x26: {  	[smem:$0x3F96] =	sst s1;
	(tag) =	ssettag s2;
	_ =	strace s9  }
0x27: {  	s1 =	sld [smem:$0x3FA6]  }
0x28: {  	s2 =	sld [smem:$0x3FA7]  }
0x29: {  	s4 =	sld [smem:$0x3FA9]  }
0x2a: {  	p0 =	seq.s32 s5, $0x0;
	s5 =	sld [smem:$0x3FAA]  }
0x2b: {  	s6 =	sld [smem:$0x3FAB]  }
0x2c: {  	s7 =	sld [smem:$0x3FAC]  }
0x2d: {  	s3 =	simm.s32 $0x108;
	s8 =	sld [smem:$0x3FAD]  }
0x2e: {  	s3 =	simm.s32 @!p0 $0x1082;
	s9 =	sld [smem:$0x3FAE]  }
0x2f: {  	lr =	sadd.s32 s0, s3;
	s0 =	sld [smem:$0x3FA5]  }
0x30: {  	s3 =	sld [smem:$0x3FA8]  }
0x31: {  	[smem:$0x3FB1] =	sst s10  }
0x32: {  	s10 =	sld [smem:$0x3FAF];
	_ =	sdelay $0x3  }
0x33: {  	p0 =	seq.s32 s10, $0x1;
	s10 =	sld [smem:$0x3FB1];
	_ =	sdelay $0x3  }
0x34: {  	[smem:$0x3FB1] =	sst s10  }
0x35: {  	s10 =	sld [smem:$0x3FB0];
	_ =	sdelay $0x3  }
0x36: {  	p1 =	seq.s32 s10, $0x1;
	s10 =	sld [smem:$0x3FB1];
	_ =	sdelay $0x3  }
0x37: {  	[smem:$0x3FB1] =	sst s10  }
0x38: {  	s10 =	sld [smem:$0x3FB2]  }
0x39: {  	_ = 	snop;
	(pc) =	sbr.ind lr, $3  }
0x3a: {  	_ = 	snop  }
0x3b: {  	_ = 	snop  }
0x3c: {  	p2 =	seq.s32 s10, $0x1;
	s10 =	sld [smem:$0x3FB1]  }
0x3d: {  	_ =	shalt  }
0x3e: {  	_ =	shalt  }
0x3f: {  	_ =	shalt  }
0x40: {  	_ =	shalt  }
0x41: {  	_ =	shalt  }
0x42: {  	_ =	shalt  }
0x43: {  	_ =	shalt  }
0x44: {  	_ =	shalt  }
0x45: {  	_ =	shalt  }
0x46: {  	_ =	shalt  }
0x47: {  	_ =	shalt  }
0x48: {  	_ =	shalt  }
0x49: {  	_ =	shalt  }
0x4a: {  	_ =	shalt  }
0x4b: {  	_ =	shalt  }
0x4c: {  	_ =	shalt  }
0x4d: {  	_ =	shalt  }
0x4e: {  	_ =	shalt  }
0x4f: {  	_ =	shalt  }
0x50: {  	_ =	shalt  }
0x51: {  	_ =	shalt  }
0x52: {  	_ =	shalt  }
0x53: {  	_ =	shalt  }
0x54: {  	_ =	shalt  }
0x55: {  	_ =	shalt  }
0x56: {  	_ =	shalt  }
0x57: {  	_ =	shalt  }
0x58: {  	_ =	shalt  }
0x59: {  	_ =	shalt  }
0x5a: {  	_ =	shalt  }
0x5b: {  	_ =	shalt  }
0x5c: {  	_ =	shalt  }
0x5d: {  	_ =	shalt  }
0x5e: {  	_ =	shalt  }
0x5f: {  	_ =	shalt  }
0x60: {  	_ =	shalt  }
0x61: {  	_ =	shalt  }
0x62: {  	_ =	shalt  }
0x63: {  	_ =	shalt  }
0x64: {  	_ =	shalt  }
0x65: {  	_ =	shalt  }
0x66: {  	_ =	shalt  }
0x67: {  	_ =	shalt  }
0x68: {  	_ =	shalt  }
0x69: {  	_ =	shalt  }
0x6a: {  	_ =	shalt  }
0x6b: {  	_ =	shalt  }
0x6c: {  	_ =	shalt  }
0x6d: {  	_ =	shalt  }
0x6e: {  	_ =	shalt  }
0x6f: {  	_ =	shalt  }
0x70: {  	_ =	shalt  }
0x71: {  	_ =	shalt  }
0x72: {  	_ =	shalt  }
0x73: {  	_ =	shalt  }
0x74: {  	_ =	shalt  }
0x75: {  	_ =	shalt  }
0x76: {  	_ =	shalt  }
0x77: {  	_ =	shalt  }
0x78: {  	_ =	shalt  }
0x79: {  	_ =	shalt  }
0x7a: {  	_ =	shalt  }
0x7b: {  	_ =	shalt  }
0x7c: {  	_ =	shalt  }
0x7d: {  	_ =	shalt  }
0x7e: {  	_ =	shalt  }
0x7f: {  	_ =	shalt  }
0x80: {  	_ =	shalt  }
0x81: {  	_ =	shalt  }
0x82: {  	_ =	shalt  }
0x83: {  	_ =	shalt  }
0x84: {  	_ =	shalt  }
0x85: {  	_ =	shalt  }
0x86: {  	_ =	shalt  }
0x87: {  	_ =	shalt  }
.Lfunc_end0:
.L_simem_size_0:
called_computation.4_lowered:
.L_overlay_start_0:
0x88: {  	s2 =	sld [smem:$0x3FD9]  }
0x89: {  	s3 =	sld [smem:$0x3FFE];
	_ =	sdelay $0x1  }
0x8a: {  	s1 =	srdreg.scid  }
0x8b: {  	s0 =	sand.u32 $0x1, s1  }
0x8c: {  	s17 =	sshll.u32 s0, $0xA;
	s2 =	sadd.s32 s3, s2  }
0x8d: {  	s2 =	sadd.s32 s2, s17  }
0x8e: {  	[smem:$0x3FBD] =	sst s2  }
0x8f: {  	_ = 	snop  }
0x90: {  	s2 =	sld [smem:$0x3FD0];
	(tm) =	ssettm $0x1  }
0x91: {  	s18 =	sld [smem:$0x3FFB];
	_ =	sdelay $0x3  }
0x92: {  	_ =	strace s18  }
0x93: {  	s3 =	sld [smem:$0x3FFC];
	_ =	sdelay $0x3  }
0x94: {  	_ =	strace s3  }
0x95: {  	s3 =	sld [smem:$0x3FFD];
	_ =	sdelay $0x3  }
0x96: {  	_ =	strace s3  }
0x97: {  	_ =	strace $0x8FFFFFFF  }
0x98: {  	s19 =	sld [smem:$0x3FDB];
	_ =	sdelay $0x1  }
0x99: {  	s4 =	simm.s32 $_scs_section_size  }
0x9a: {  	s5 =	simm.s32 $_size__tile_overlayer_lowered;
	s6 =	simm.s32 $_tile_overlayer_lowered  }
0x9b: {  	s22 =	simm.s32 $0x1BFF;
	s21 =	sshll.u32 s6, $0x1;
	s3 =	sadd.s32 s4, s19  }
0x9c: {  	s7 =	simm.s32 $0x0;
	s20 =	sshll.u32 s5, $0x1;
	s5 =	sadd.s32 s21, s3  }
0x9d: {  	[timem:s7], [sflag:s22] =	dma.local [hbm:s5], s20  }
0x9e: {  	_ =	swait.ge [sflag:s22], s20  }
0x9f: {  	s4 =	ssub.s32 $0x0, s20;
	[sflag:s22] =	ssyncset.done $0x0  }
0xa0: {  	[sflag:s22] =	ssyncadd.s32 s4;
	_ =	sdelay $0x1  }
0xa1: {  	s23 =	simm.s32 $0x1B8B  }
0xa2: {  	_ =	swait.ge [sflag:s23], $0x1  }
0xa3: {  	[sflag:s23] =	ssyncset.done $0x0  }
0xa4: {  	s25 =	simm.s32 $0x1B8E;
	s24 =	sld [smem:$0x3FFE];
	[sflag:s23] =	ssyncadd.s32 $0xFFFFFFFF  }
0xa5: {  	s26 =	simm.s32 $execute0_lowered;
	[smem:$0x3FD2] =	sst s25  }
0xa6: {  	s5 =	sshll.u32 s26, $0x1;
	_ =	strace $0x80000052;
	[dreg:$0x1] =	wrdreg $0xFFFFFFFF  }
0xa7: {  	s28 =	simm.s32 $_size_execute0_lowered;
	s3 =	sadd.s32 s3, s5;
	[dreg:$0x0] =	wrdreg $0x0  }
0xa8: {  	s5 =	sshll.u32 s28, $0x1;
	[dreg:$0x2] =	wrdreg s3  }
0xa9: {  	[dreg:$0x3] =	wrdreg s5  }
0xaa: {  	[dreg:$0x4] =	wrdreg $0xC0  }
0xab: {  	_ =	task [dreg:s7], $0x5FFFF  }
0xac: {  	[dreg:$0x1] =	wrdreg $0xFFFFFFFF  }
0xad: {  	[dreg:$0x0] =	wrdreg $0x60  }
0xae: {  	[dreg:$0x2] =	wrdreg s2  }
0xaf: {  	[dreg:$0x3] =	wrdreg s24  }
0xb0: {  	[dreg:$0x4] =	wrdreg $0x9C000  }
0xb1: {  	[dreg:$0x5] =	wrdreg $0x9  }
0xb2: {  	_ =	task.clear_ibuf [dreg:s7], $0x6FFFF;
	_ =	strace $0x90000052  }
0xb3: {  	s29 =	simm.s32 $0x9;
	_ =	strace $0x80000054  }
0xb4: {  	_ =	swait.ge [sflag:s29], $0x1  }
0xb5: {  	[sflag:s29] =	ssyncadd.s32 $0xFFFFFFFF  }
0xb6: {  	_ =	strace $0x90000054  }
0xb7: {  	_ =	sfence  }
0xb8: {  	s30 =	sld [smem:$0x0];
	_ =	sdelay $0x2  }
0xb9: {  	s31 =	sshll.u32 s1, $0xD;
	s1 =	sshrl.u32 s1, $0x2  }
0xba: {  	s3 =	sand.u32 $0x4000, s31;
	s1 =	sadd.s32 s1, s30  }
0xbb: {  	s0 =	sor.u32 s3, s0;
	s1 =	sshll.u32 s1, $0x11  }
0xbc: {  	s0 =	sor.u32 s1, s0  }
0xbd: {  	s0 =	sadd.s32 $0x8F2B, s0  }
0xbe: {  	[sflag:s0] =	ssyncadd.remote.s32 $0x1  }
0xbf: {  	_ =	sfence.sel $0xFFFF  }
0xc0: {  	[dreg:$0x0] =	wrdreg $0xFFFFFFFF;
	(pc) =	sbr.abs _section_cstart, $3  }
0xc1: {  	[dreg:$0x1] =	wrdreg $0xFFFFFFFF  }
0xc2: {  	_ =	task.clear_ibuf [dreg:s7], $0x2FFFF;
	_ =	strace $0x9FFFFFFF  }
0xc3: {  	(tm) =	ssettm $0x7FFFFFFF  }
tec
execute0_lowered:
.L_overlay_start_1:
0x0: {  	(tag) =	ssettag $0x1  }
0x1: {  	s0 =	rddreg [dreg:$0x0]  }
0x2: {  	s1 =	srdreg.scid;
	s6 =	rddreg [dreg:$0x1]  }
0x3: {  	s3 =	rddreg [dreg:$0x2];
	s2 =	stileid.u32  }
0x4: {  	s4 =	simm.s32 $0x0;
	s13 =	simm.s32 $0x64;
	s14 =	simm.s32 $0x6800  }
0x5: {  	s5 =	sand.u32 $0x1, s1;
	s1 =	rddreg [dreg:$0x3];
	s10 =	smul.u32 $0x50000, s2  }
0x6: {  	s15 =	simm.s32 $0x1;
	[smem:$0x7FF] =	sst s4;
	s17 =	smul.u32 $0x2800, s2  }
0x7: {  	s11 =	sshll.u32 s2, $0x6;
	s7 =	sshll.u32 s5, $0x4;
	_ =	strace $0x80000053  }
0x8: {  	s8 =	smul.u32 $0x28000, s5;
	s9 =	ssub.s32 $0x2, s5;
	s5 =	sadd.s32 $0x1EA00, s6  }
0x9: {  	s11 =	sor.u32 $0x1C02, s11;
	s7 =	sor.u32 s2, s7;
	s31 =	sshrl.u32 s9, $0x1  }
0xa: {  	s10 =	sshrl.u32 s10, $0x2;
	s7 =	smul.u32 $0x680, s7;
	s8 =	sadd.s32 s8, s6  }
0xb: {  	s9 =	ssub.s32 s9, s31;
	s12 =	sadd.s32 s10, s3;
	s10 =	simm.s32 $0x3400  }
0xc: {  	s16 =	sadd.s32 $0x21200, s8;
	s8 =	smax.u32 s9, $0x1;
	s9 =	simm.s32 $0x2  }
0xd: {  	s12 =	sshrl.u32 s12, $0x3;
	s7 =	sadd.s32 s7, s6;
	s16 =	sadd.s32 s17, s16  }
0xe: {  	s17 =	simm.s32 $0x0;
	s6 =	sadd.s32 $0x11A00, s7;
	s7 =	sadd.s32 $0x4A00, s7  }
.LBB2_1:
0xf: {  	[tilespmem:s4], [sflag:$0x2] =	stream.linear.gather [hbm4b:s6+s4], $0x3200, $0x38;
	[tilespmem:$0x1DC00] =	vst v63  }
0x10: {  	_ =	swait.ge [sflag:s9], $0x3200  }
0x11: {  	[sflag:s9] =	ssyncset.done $0x0  }
0x12: {  	[sflag:s9] =	ssyncadd.s32 $0xFFFFCE00  }
0x13: {  	[tilespmem:s10], [sflag:$0x2] =	stream.linear.gather [hbm4b:s7+s4], $0x3200, $0x38;
	[tilespmem:$0x1DC00] =	vst v63  }
0x14: {  	_ =	swait.ge [sflag:s9], $0x3200  }
0x15: {  	[sflag:s9] =	ssyncset.done $0x0  }
0x16: {  	[sflag:s9] =	ssyncadd.s32 $0xFFFFCE00  }
0x17: {  	[spmem:s12], [sflag:s11] =	dma.local [hbm:s5], $0x2800  }
0x18: {  	_ =	swait.ge [sflag:s9], $0x2800  }
0x19: {  	[sflag:s9] =	ssyncset.done $0x0  }
0x1a: {  	[sflag:s9] =	ssyncadd.s32 $0xFFFFD800  }
0x1b: {  	s18 =	simm.s32 $0x0;
	[bflag:$0x0] =	sbarrier.arrive $0xFFFF  }
0x1c: {  	[tilespmem:s14], [sflag:$0x1] =	stream.indirect.gather [hbm4b:s0+s13], $0x80, s18, s13, $0xb8;
	[tilespmem:$0x1DC00] =	vst v63  }
0x1d: {  	_ =	swait.ge [sflag:s15], $0x3200  }
0x1e: {  	[sflag:s15] =	ssyncset.done $0x0  }
0x1f: {  	s31 =	simm.s32 $0x3400;
	[sflag:s15] =	ssyncadd.s32 $0xFFFFCE00  }
0x20: {  	[spmem:s3] =	stream.indirect.scatter.add.f32 [tilespmem:s14], [sflag:$0x2], $0x80, s31, s13, $0xb8;
	[tilespmem:$0x1DC00] =	vst v63  }
0x21: {  	_ =	swait.ge [sflag:s9], $0x3200  }
0x22: {  	s19 =	simm.s32 $0x400;
	s18 =	simm.s32 $0x200;
	[sflag:s9] =	ssyncset.done $0x0  }
.LBB2_2:
0x23: {  	s20 =	sshra.s32 s18, $0x2  }
0x24: {  	[sflag:s9] =	ssyncadd.s32 $0xFFFFCE00;
	s18 =	smov.u32 s19;
	s21 =	sadd.s32 $0x200, s19  }
0x25: {  	[tilespmem:s14], [sflag:$0x1] =	stream.indirect.gather [hbm4b:s0+s13], $0x80, s20, s13, $0xb8;
	[tilespmem:$0x1DC00] =	vst v63  }
0x26: {  	p0 =	sne.s32 s19, $0xC600;
	_ =	swait.ge [sflag:s15], $0x3200  }
.Ltmp0:
0x27: {  	[sflag:s15] =	ssyncset.done $0x0;
	(pc) =	sbr.rel @p0 .LBB2_2-.Ltmp0, $4  }
0x28: {  	s19 =	sadd.s32 $0x3400, s20;
	[sflag:s15] =	ssyncadd.s32 $0xFFFFCE00  }
0x29: {  	[spmem:s3] =	stream.indirect.scatter.add.f32 [tilespmem:s14], [sflag:$0x2], $0x80, s19, s13, $0xb8;
	[tilespmem:$0x1DC00] =	vst v63  }
0x2a: {  	_ =	swait.ge [sflag:s9], $0x3200  }
0x2b: {  	s19 =	smov.u32 s21;
	[sflag:s9] =	ssyncset.done $0x0  }
0x2c: {  	s18 =	sshra.s32 s18, $0x2;
	[sflag:s9] =	ssyncadd.s32 $0xFFFFCE00  }
0x2d: {  	[tilespmem:s14], [sflag:$0x1] =	stream.indirect.gather [hbm4b:s0+s13], $0x80, s18, s13, $0xb8;
	[tilespmem:$0x1DC00] =	vst v63  }
0x2e: {  	_ =	swait.ge [sflag:s15], $0x3200  }
0x2f: {  	[sflag:s15] =	ssyncset.done $0x0  }
0x30: {  	s18 =	sadd.s32 $0x3400, s18;
	[sflag:s15] =	ssyncadd.s32 $0xFFFFCE00  }
0x31: {  	[spmem:s3] =	stream.indirect.scatter.add.f32 [tilespmem:s14], [sflag:$0x2], $0x80, s18, s13, $0xb8;
	[tilespmem:$0x1DC00] =	vst v63  }
0x32: {  	_ =	swait.ge [sflag:s9], $0x3200  }
0x33: {  	s17 =	sadd.s32 $0x1, s17;
	[sflag:s9] =	ssyncset.done $0x0  }
0x34: {  	p0 =	sne.s32 s17, s8;
	[sflag:s9] =	ssyncadd.s32 $0xFFFFCE00  }
.Ltmp1:
0x35: {  	[bflag:$0x0] =	sbarrier.arrive $0xFFFF;
	(pc) =	sbr.rel @p0 .LBB2_1-.Ltmp1, $4  }
0x36: {  	[hbm:s16], [sflag:s11] =	dma.local [spmem:s12], $0x2800  }
0x37: {  	_ =	swait.ge [sflag:s9], $0x2800  }
0x38: {  	[sflag:s9] =	ssyncset.done $0x0  }
0x39: {  	[sflag:s9] =	ssyncadd.s32 $0xFFFFD800  }
0x3a: {  	_ =	sfence.sel $0x180000  }
0x3b: {  	[bflag:$0x0] =	sbarrier.arrive $0xFFFF  }
0x3c: {  	p0 =	sne.s32 s2, $0x0;
	_ =	strace $0x90000053  }
0x3d: {  	s0 =	sadd.s32 @!p0 $0x100000, s1;
	[bflag:$0x2] =	sbarrier.arrive $0xFFFF  }
0x3e: {  	[sflag:s0] =	ssyncadd.tile.s32 @!p0 $0x1;
	_ =	shalt  }
.Lfunc_end2:
_tile_overlayer_lowered:
.L_overlay_start_2:
0x3f: {  	(tag) =	ssettag $0x2  }
0x40: {  	s0 =	rddreg [dreg:$0x0];
	s2 =	stileid.u32  }
0x41: {  	s1 =	rddreg [dreg:$0x1];
	p0 =	sne.s32 s2, $0x0  }
0x42: {  	s3 =	rddreg [dreg:$0x2];
	[bflag:$0x3] =	sbarrier.arrive $0xFFFF;
	s2 =	simm.s32 @!p0 $0x1C02  }
0x43: {  	[timem:s3], [sflag:s2] =	dma.local @!p0 [hbm:s0], s1  }
0x44: {  	s0 =	simm.s32 @!p0 $0x2  }
0x45: {  	_ =	swait.ge @!p0 [sflag:s0], s1  }
0x46: {  	s1 =	ssub.s32 @!p0 $0x0, s1;
	[sflag:s0] =	ssyncset.done @!p0 $0x0  }
0x47: {  	[sflag:s0] =	ssyncadd.s32 @!p0 s1  }
0x48: {  	[bflag:$0x3] =	sbarrier.arrive $0xFFFF  }
0x49: {  	_ =	shalt  }

</sc_bundles>
